<compile_context>
chip_gen: v7x
topology: tpu7x:2x2x1
jax: 0.10.2.dev20260603
libtpu: 0.0.44.dev20260713+nightly
codegen_flags: <defaults>
</compile_context>

<pallas_src>
import functools

import jax
import jax.numpy as jnp
from jax import lax
from jax.experimental import pallas as pl
from jax.experimental.pallas import tpu as pltpu
from jax.experimental.pallas import tpu_sc as plsc

_BLK = 128
_WPB = 2 * _BLK


def _proj_body(h_ref, w_ref, b_ref, o_ref):
    o_ref[...] = (
        lax.dot_general(
            w_ref[...],
            h_ref[...],
            (((0,), (1,)), ((), ())),
            preferred_element_type=jnp.float32,
        )
        + b_ref[...]
    )


def _make_edge_kernel(n_nodes, n_edges, nc, ns, lanes):
    nw = nc * ns
    nblk = n_edges // _BLK
    nb = nblk // nw
    extra = nblk - nb * nw
    mesh = plsc.VectorSubcoreMesh(core_axis_name="c", subcore_axis_name="s")

    @functools.partial(
        pl.kernel,
        mesh=mesh,
        out_type=jax.ShapeDtypeStruct((2 * n_edges,), jnp.float32),
        scratch_types=[
            pltpu.VMEM((4 * n_nodes,), jnp.float32),
            pltpu.VMEM((nb * _BLK,), jnp.int32),
            pltpu.VMEM((nb * _BLK,), jnp.int32),
            pltpu.VMEM((nb * _WPB,), jnp.float32),
            pltpu.VMEM((_BLK,), jnp.int32),
            pltpu.VMEM((_BLK,), jnp.int32),
            pltpu.VMEM((_WPB,), jnp.float32),
        ],
        compiler_params=pltpu.CompilerParams(needs_layout_passes=False),
    )
    def edge_kernel(p_hbm, ei_hbm, out_hbm, tbl, ivs, ivd, outv, ivse, ivde, outve):
        wid = lax.axis_index("s") * nc + lax.axis_index("c")
        base_e = wid * (nb * _BLK)
        base_w = wid * (nb * _WPB)
        pltpu.sync_copy(p_hbm, tbl)
        pltpu.sync_copy(ei_hbm.at[0, pl.ds(base_e, nb * _BLK)], ivs)
        pltpu.sync_copy(ei_hbm.at[1, pl.ds(base_e, nb * _BLK)], ivd)

        def steps(ivs_ref, ivd_ref, outv_ref, soff, loffs):
            ioff = soff // 2
            ss = [ivs_ref[pl.ds(ioff + l, lanes)] for l in loffs]
            ds = [ivd_ref[pl.ds(ioff + l, lanes)] for l in loffs]
            a0s = [plsc.load_gather(tbl, [s]) for s in ss]
            c0s = [plsc.load_gather(tbl, [d + 2 * n_nodes]) for d in ds]
            a1s = [plsc.load_gather(tbl, [s + n_nodes]) for s in ss]
            c1s = [plsc.load_gather(tbl, [d + 3 * n_nodes]) for d in ds]
            x0s = [a + c for a, c in zip(a0s, c0s)]
            x1s = [a + c for a, c in zip(a1s, c1s)]
            e0s = [jnp.exp(x) for x in x0s]
            e1s = [jnp.exp(x) for x in x1s]
            y0s = [1.0 / (1.0 + e) for e in e0s]
            y1s = [1.0 / (1.0 + e) for e in e1s]
            for l, y in zip(loffs, y0s):
                outv_ref[pl.ds(soff + l, lanes)] = y
            for l, y in zip(loffs, y1s):
                outv_ref[pl.ds(soff + _BLK + l, lanes)] = y

        def block_body(k, carry):
            soff = k * _WPB
            steps(ivs, ivd, outv, soff, [l * lanes for l in range(8)])
            return carry

        lax.fori_loop(0, nb, block_body, 0)
        pltpu.sync_copy(outv, out_hbm.at[pl.ds(base_w, nb * _WPB)])

        @pl.when(wid < extra)
        def _tail():
            tail_e = (nblk - extra + wid) * _BLK
            tail_w = (nblk - extra + wid) * _WPB
            pltpu.sync_copy(ei_hbm.at[0, pl.ds(tail_e, _BLK)], ivse)
            pltpu.sync_copy(ei_hbm.at[1, pl.ds(tail_e, _BLK)], ivde)
            steps(ivse, ivde, outve, 0, [l * lanes for l in range(8)])
            pltpu.sync_copy(outve, out_hbm.at[pl.ds(tail_w, _WPB)])

    return edge_kernel


def kernel(h, edge_index, W, b):
    n_nodes, d = h.shape
    n_edges = edge_index.shape[1]
    n_classes = b.shape[0]
    nblk = n_edges // _BLK

    wcat = -jnp.concatenate([W[:d], W[d:]], axis=1)
    bcat = -jnp.concatenate([b, jnp.zeros_like(b)])[:, None]

    p = pl.pallas_call(
        _proj_body,
        out_shape=jax.ShapeDtypeStruct((2 * n_classes, n_nodes), jnp.float32),
    )(h, wcat, bcat)

    info = plsc.get_sparse_core_info()
    edge_fn = _make_edge_kernel(
        n_nodes, n_edges, info.num_cores, info.num_subcores, info.num_lanes
    )
    ei = edge_index.astype(jnp.int32)
    out_flat = edge_fn(p.reshape(-1), ei)
    return (
        out_flat.reshape(nblk, n_classes, _BLK)
        .transpose(0, 2, 1)
        .reshape(n_edges, n_classes)
    )

# --- scband reference (transcript-rebuilt; emitter-appended) ---
"""Pipeline reference for scband-classify-mlppredictor-34385508171925 (READ-ONLY COPY).

The authoritative reference and input builder live on the scoring server;
editing this copy changes nothing except your own understanding.
"""

import jax, jax.numpy as jnp
import numpy as np

N_NODES = 10000
N_EDGES = 320000
D_FEAT = 128
N_CLASSES = 2

def setup_inputs(seed: int = 0) -> dict:
    key = jax.random.key(seed)
    k1, k2, k3, k4 = jax.random.split(key, 4)
    h = jax.random.normal(k1, (N_NODES, D_FEAT), dtype=jnp.float32)
    edge_index = jax.random.randint(k2, (2, N_EDGES), 0, N_NODES, dtype=jnp.int64)
    # nn.Linear(in_dims*2, n_classes): weight [n_classes, 2*in_dims], bias [n_classes]
    # store transposed for x @ W
    W = jax.random.normal(k3, (2 * D_FEAT, N_CLASSES), dtype=jnp.float32) * (1.0 / np.sqrt(2 * D_FEAT))
    b = jax.random.uniform(k4, (N_CLASSES,), dtype=jnp.float32, minval=-1.0 / np.sqrt(2 * D_FEAT), maxval=1.0 / np.sqrt(2 * D_FEAT))
    return {"h": h, "edge_index": edge_index, "W": W, "b": b}

def reference(h, edge_index, W, b):
    # apply_edges: concat src/dst node features per edge, then Linear + Sigmoid
    src = jnp.take(h, edge_index[0], axis=0)   # [E, d]
    dst = jnp.take(h, edge_index[1], axis=0)   # [E, d]
    x = jnp.concatenate([src, dst], axis=1)    # [E, 2d]
    y = jax.nn.sigmoid(x @ W + b)              # [E, n_classes]
    return y

if __name__ == "__main__":
    import jax
    _d = setup_inputs()
    print(jax.jit(kernel)(*tuple(_d.values())))

</pallas_src>

<mosaic_0001>
#map = affine_map<(d0, d1) -> (0)>
#map1 = affine_map<(d0, d1) -> (0, 0)>
module attributes {stable_mosaic.version = 14 : i64} {
  func.func @edge_kernel(%arg0: i32, %arg1: i32, %arg2: memref<40000xf32, #tpu.memory_space<hbm>>, %arg3: memref<2x320000xi32, #tpu.memory_space<hbm>>, %arg4: memref<640000xf32, #tpu.memory_space<hbm>>, %arg5: memref<40000xf32, #tpu.memory_space<vmem>>, %arg6: memref<9984xi32, #tpu.memory_space<vmem>>, %arg7: memref<9984xi32, #tpu.memory_space<vmem>>, %arg8: memref<19968xf32, #tpu.memory_space<vmem>>, %arg9: memref<128xi32, #tpu.memory_space<vmem>>, %arg10: memref<128xi32, #tpu.memory_space<vmem>>, %arg11: memref<256xf32, #tpu.memory_space<vmem>>) attributes {dimension_semantics = [#tpu.dimension_semantics<core_parallel>, #tpu.dimension_semantics<subcore_parallel>], iteration_bounds = array<i64: 2, 16>, scalar_prefetch = 0 : i64, scratch_operands = 7 : i64, tpu.core_type = #tpu.core_type<sc_vector_subcore>, window_params = [{transform_indices = #map}, {transform_indices = #map1}, {transform_indices = #map}]} {
    %mul3A = arith.constant 2 : i32
    %mul3A_0 = arith.muli %arg1, %mul3A : i32
    %add3A = arith.addi %mul3A_0, %arg0 : i32
    %mul3A_1 = arith.constant 9984 : i32
    %mul3A_2 = arith.muli %add3A, %mul3A_1 : i32
    %mul3A_3 = arith.constant 19968 : i32
    %mul3A_4 = arith.muli %add3A, %mul3A_3 : i32
    "tpu.region"() ({
      %run_scoped3A_13 = tpu.sem_alloc : memref<!tpu.dma_semaphore, #tpu.memory_space<semaphore_mem>>
      tpu.enqueue_dma source(%arg2 : memref<40000xf32, #tpu.memory_space<hbm>>) target(%arg5 : memref<40000xf32, #tpu.memory_space<vmem>>) target_semaphore(%run_scoped3A_13 : memref<!tpu.dma_semaphore, #tpu.memory_space<semaphore_mem>>)
      tpu.wait_dma2 semaphore(%run_scoped3A_13 : memref<!tpu.dma_semaphore, #tpu.memory_space<semaphore_mem>>) src(%arg2 : memref<40000xf32, #tpu.memory_space<hbm>>) dst(%arg5 : memref<40000xf32, #tpu.memory_space<vmem>>)
      tpu.yield
    }) : () -> ()
    %run_scoped3A = arith.constant 0 : i32
    "tpu.region"() ({
      %run_scoped3A_13 = tpu.sem_alloc : memref<!tpu.dma_semaphore, #tpu.memory_space<semaphore_mem>>
      %dma_start3A = tpu.memref_slice %arg3[%run_scoped3A, %mul3A_2] : memref<2x320000xi32, #tpu.memory_space<hbm>> -> memref<1x9984xi32, #tpu.memory_space<hbm>>
      %dma_start3A_14 = tpu.memref_squeeze %dma_start3A : memref<1x9984xi32, #tpu.memory_space<hbm>> -> memref<9984xi32, #tpu.memory_space<hbm>>
      %dma_start3A_15 = tpu.memref_slice %arg3[%run_scoped3A, %mul3A_2] : memref<2x320000xi32, #tpu.memory_space<hbm>> -> memref<1x9984xi32, #tpu.memory_space<hbm>>
      %dma_start3A_16 = tpu.memref_squeeze %dma_start3A_15 : memref<1x9984xi32, #tpu.memory_space<hbm>> -> memref<9984xi32, #tpu.memory_space<hbm>>
      tpu.enqueue_dma source(%dma_start3A_16 : memref<9984xi32, #tpu.memory_space<hbm>>) target(%arg6 : memref<9984xi32, #tpu.memory_space<vmem>>) target_semaphore(%run_scoped3A_13 : memref<!tpu.dma_semaphore, #tpu.memory_space<semaphore_mem>>)
      %dma_wait3A = tpu.memref_slice %arg3[%run_scoped3A, %mul3A_2] : memref<2x320000xi32, #tpu.memory_space<hbm>> -> memref<1x9984xi32, #tpu.memory_space<hbm>>
      %dma_wait3A_17 = tpu.memref_squeeze %dma_wait3A : memref<1x9984xi32, #tpu.memory_space<hbm>> -> memref<9984xi32, #tpu.memory_space<hbm>>
      %dma_wait3A_18 = tpu.memref_slice %arg3[%run_scoped3A, %mul3A_2] : memref<2x320000xi32, #tpu.memory_space<hbm>> -> memref<1x9984xi32, #tpu.memory_space<hbm>>
      %dma_wait3A_19 = tpu.memref_squeeze %dma_wait3A_18 : memref<1x9984xi32, #tpu.memory_space<hbm>> -> memref<9984xi32, #tpu.memory_space<hbm>>
      tpu.wait_dma2 semaphore(%run_scoped3A_13 : memref<!tpu.dma_semaphore, #tpu.memory_space<semaphore_mem>>) src(%dma_wait3A_19 : memref<9984xi32, #tpu.memory_space<hbm>>) dst(%arg6 : memref<9984xi32, #tpu.memory_space<vmem>>)
      tpu.yield
    }) : () -> ()
    %run_scoped3A_5 = arith.constant 1 : i32
    "tpu.region"() ({
      %run_scoped3A_13 = tpu.sem_alloc : memref<!tpu.dma_semaphore, #tpu.memory_space<semaphore_mem>>
      %dma_start3A = tpu.memref_slice %arg3[%run_scoped3A_5, %mul3A_2] : memref<2x320000xi32, #tpu.memory_space<hbm>> -> memref<1x9984xi32, #tpu.memory_space<hbm>>
      %dma_start3A_14 = tpu.memref_squeeze %dma_start3A : memref<1x9984xi32, #tpu.memory_space<hbm>> -> memref<9984xi32, #tpu.memory_space<hbm>>
      %dma_start3A_15 = tpu.memref_slice %arg3[%run_scoped3A_5, %mul3A_2] : memref<2x320000xi32, #tpu.memory_space<hbm>> -> memref<1x9984xi32, #tpu.memory_space<hbm>>
      %dma_start3A_16 = tpu.memref_squeeze %dma_start3A_15 : memref<1x9984xi32, #tpu.memory_space<hbm>> -> memref<9984xi32, #tpu.memory_space<hbm>>
      tpu.enqueue_dma source(%dma_start3A_16 : memref<9984xi32, #tpu.memory_space<hbm>>) target(%arg7 : memref<9984xi32, #tpu.memory_space<vmem>>) target_semaphore(%run_scoped3A_13 : memref<!tpu.dma_semaphore, #tpu.memory_space<semaphore_mem>>)
      %dma_wait3A = tpu.memref_slice %arg3[%run_scoped3A_5, %mul3A_2] : memref<2x320000xi32, #tpu.memory_space<hbm>> -> memref<1x9984xi32, #tpu.memory_space<hbm>>
      %dma_wait3A_17 = tpu.memref_squeeze %dma_wait3A : memref<1x9984xi32, #tpu.memory_space<hbm>> -> memref<9984xi32, #tpu.memory_space<hbm>>
      %dma_wait3A_18 = tpu.memref_slice %arg3[%run_scoped3A_5, %mul3A_2] : memref<2x320000xi32, #tpu.memory_space<hbm>> -> memref<1x9984xi32, #tpu.memory_space<hbm>>
      %dma_wait3A_19 = tpu.memref_squeeze %dma_wait3A_18 : memref<1x9984xi32, #tpu.memory_space<hbm>> -> memref<9984xi32, #tpu.memory_space<hbm>>
      tpu.wait_dma2 semaphore(%run_scoped3A_13 : memref<!tpu.dma_semaphore, #tpu.memory_space<semaphore_mem>>) src(%dma_wait3A_19 : memref<9984xi32, #tpu.memory_space<hbm>>) dst(%arg7 : memref<9984xi32, #tpu.memory_space<vmem>>)
      tpu.yield
    }) : () -> ()
    %scan3A = arith.constant 0 : i32
    %scan3A_6 = arith.constant 0 : i32
    %scan3A_7 = arith.constant 78 : i32
    %scan3A_8 = arith.addi %scan3A_6, %scan3A_7 : i32
    %scan3A_9 = arith.constant 1 : i32
    scf.for %scan3A_13 = %scan3A_6 to %scan3A_8 step %scan3A_9  : i32 {
      %mul3A_14 = arith.constant 256 : i32
      %mul3A_15 = arith.muli %scan3A_13, %mul3A_14 : i32
      %jit3A = arith.constant 2 : i32
      %div3A = arith.divsi %mul3A_15, %jit3A : i32
      %sign3A = arith.constant 0 : i32
      %sign3A_16 = arith.cmpi sgt, %mul3A_15, %sign3A : i32
      %sign3A_17 = arith.extui %sign3A_16 : i1 to i32
      %sign3A_18 = arith.constant 0 : i32
      %sign3A_19 = arith.cmpi slt, %mul3A_15, %sign3A_18 : i32
      %sign3A_20 = arith.extui %sign3A_19 : i1 to i32
      %sign3A_21 = arith.subi %sign3A_17, %sign3A_20 : i32
      %sign3A_22 = arith.constant 0 : i32
      %sign3A_23 = arith.cmpi sgt, %jit3A, %sign3A_22 : i32
      %sign3A_24 = arith.extui %sign3A_23 : i1 to i32
      %sign3A_25 = arith.constant 0 : i32
      %sign3A_26 = arith.cmpi slt, %jit3A, %sign3A_25 : i32
      %sign3A_27 = arith.extui %sign3A_26 : i1 to i32
      %sign3A_28 = arith.subi %sign3A_24, %sign3A_27 : i32
      %ne3A = arith.cmpi ne, %sign3A_21, %sign3A_28 : i32
      %rem3A = arith.remsi %mul3A_15, %jit3A : i32
      %ne3A_29 = arith.constant 0 : i32
      %ne3A_30 = arith.cmpi ne, %rem3A, %ne3A_29 : i32
      %and3A = arith.andi %ne3A, %ne3A_30 : i1
      %sub3A = arith.constant 1 : i32
      %sub3A_31 = arith.subi %div3A, %sub3A : i32
      %select_n3A = arith.select %and3A, %sub3A_31, %div3A : i32
      %add3A_32 = arith.constant 0 : i32
      %add3A_33 = arith.addi %select_n3A, %add3A_32 : i32
      %get3A = arith.index_cast %add3A_33 : i32 to index
      %get3A_34 = tpu.vector_load %arg6[%get3A] {strides = array<i32>} : memref<9984xi32, #tpu.memory_space<vmem>>, vector<16xi32>,
      %add3A_35 = arith.constant 16 : i32
      %add3A_36 = arith.addi %select_n3A, %add3A_35 : i32
      %get3A_37 = arith.index_cast %add3A_36 : i32 to index
      %get3A_38 = tpu.vector_load %arg6[%get3A_37] {strides = array<i32>} : memref<9984xi32, #tpu.memory_space<vmem>>, vector<16xi32>,
      %add3A_39 = arith.constant 32 : i32
      %add3A_40 = arith.addi %select_n3A, %add3A_39 : i32
      %get3A_41 = arith.index_cast %add3A_40 : i32 to index
      %get3A_42 = tpu.vector_load %arg6[%get3A_41] {strides = array<i32>} : memref<9984xi32, #tpu.memory_space<vmem>>, vector<16xi32>,
      %add3A_43 = arith.constant 48 : i32
      %add3A_44 = arith.addi %select_n3A, %add3A_43 : i32
      %get3A_45 = arith.index_cast %add3A_44 : i32 to index
      %get3A_46 = tpu.vector_load %arg6[%get3A_45] {strides = array<i32>} : memref<9984xi32, #tpu.memory_space<vmem>>, vector<16xi32>,
      %add3A_47 = arith.constant 64 : i32
      %add3A_48 = arith.addi %select_n3A, %add3A_47 : i32
      %get3A_49 = arith.index_cast %add3A_48 : i32 to index
      %get3A_50 = tpu.vector_load %arg6[%get3A_49] {strides = array<i32>} : memref<9984xi32, #tpu.memory_space<vmem>>, vector<16xi32>,
      %add3A_51 = arith.constant 80 : i32
      %add3A_52 = arith.addi %select_n3A, %add3A_51 : i32
      %get3A_53 = arith.index_cast %add3A_52 : i32 to index
      %get3A_54 = tpu.vector_load %arg6[%get3A_53] {strides = array<i32>} : memref<9984xi32, #tpu.memory_space<vmem>>, vector<16xi32>,
      %add3A_55 = arith.constant 96 : i32
      %add3A_56 = arith.addi %select_n3A, %add3A_55 : i32
      %get3A_57 = arith.index_cast %add3A_56 : i32 to index
      %get3A_58 = tpu.vector_load %arg6[%get3A_57] {strides = array<i32>} : memref<9984xi32, #tpu.memory_space<vmem>>, vector<16xi32>,
      %add3A_59 = arith.constant 112 : i32
      %add3A_60 = arith.addi %select_n3A, %add3A_59 : i32
      %get3A_61 = arith.index_cast %add3A_60 : i32 to index
      %get3A_62 = tpu.vector_load %arg6[%get3A_61] {strides = array<i32>} : memref<9984xi32, #tpu.memory_space<vmem>>, vector<16xi32>,
      %add3A_63 = arith.constant 0 : i32
      %add3A_64 = arith.addi %select_n3A, %add3A_63 : i32
      %get3A_65 = arith.index_cast %add3A_64 : i32 to index
      %get3A_66 = tpu.vector_load %arg7[%get3A_65] {strides = array<i32>} : memref<9984xi32, #tpu.memory_space<vmem>>, vector<16xi32>,
      %add3A_67 = arith.constant 16 : i32
      %add3A_68 = arith.addi %select_n3A, %add3A_67 : i32
      %get3A_69 = arith.index_cast %add3A_68 : i32 to index
      %get3A_70 = tpu.vector_load %arg7[%get3A_69] {strides = array<i32>} : memref<9984xi32, #tpu.memory_space<vmem>>, vector<16xi32>,
      %add3A_71 = arith.constant 32 : i32
      %add3A_72 = arith.addi %select_n3A, %add3A_71 : i32
      %get3A_73 = arith.index_cast %add3A_72 : i32 to index
      %get3A_74 = tpu.vector_load %arg7[%get3A_73] {strides = array<i32>} : memref<9984xi32, #tpu.memory_space<vmem>>, vector<16xi32>,
      %add3A_75 = arith.constant 48 : i32
      %add3A_76 = arith.addi %select_n3A, %add3A_75 : i32
      %get3A_77 = arith.index_cast %add3A_76 : i32 to index
      %get3A_78 = tpu.vector_load %arg7[%get3A_77] {strides = array<i32>} : memref<9984xi32, #tpu.memory_space<vmem>>, vector<16xi32>,
      %add3A_79 = arith.constant 64 : i32
      %add3A_80 = arith.addi %select_n3A, %add3A_79 : i32
      %get3A_81 = arith.index_cast %add3A_80 : i32 to index
      %get3A_82 = tpu.vector_load %arg7[%get3A_81] {strides = array<i32>} : memref<9984xi32, #tpu.memory_space<vmem>>, vector<16xi32>,
      %add3A_83 = arith.constant 80 : i32
      %add3A_84 = arith.addi %select_n3A, %add3A_83 : i32
      %get3A_85 = arith.index_cast %add3A_84 : i32 to index
      %get3A_86 = tpu.vector_load %arg7[%get3A_85] {strides = array<i32>} : memref<9984xi32, #tpu.memory_space<vmem>>, vector<16xi32>,
      %add3A_87 = arith.constant 96 : i32
      %add3A_88 = arith.addi %select_n3A, %add3A_87 : i32
      %get3A_89 = arith.index_cast %add3A_88 : i32 to index
      %get3A_90 = tpu.vector_load %arg7[%get3A_89] {strides = array<i32>} : memref<9984xi32, #tpu.memory_space<vmem>>, vector<16xi32>,
      %add3A_91 = arith.constant 112 : i32
      %add3A_92 = arith.addi %select_n3A, %add3A_91 : i32
      %get3A_93 = arith.index_cast %add3A_92 : i32 to index
      %get3A_94 = tpu.vector_load %arg7[%get3A_93] {strides = array<i32>} : memref<9984xi32, #tpu.memory_space<vmem>>, vector<16xi32>,
      %gather3A = tpu.vector_load_idx %arg5[%get3A_34] : memref<40000xf32, #tpu.memory_space<vmem>>[vector<16xi32>], vector<16xf32>,
      %gather3A_95 = tpu.vector_load_idx %arg5[%get3A_38] : memref<40000xf32, #tpu.memory_space<vmem>>[vector<16xi32>], vector<16xf32>,
      %gather3A_96 = tpu.vector_load_idx %arg5[%get3A_42] : memref<40000xf32, #tpu.memory_space<vmem>>[vector<16xi32>], vector<16xf32>,
      %gather3A_97 = tpu.vector_load_idx %arg5[%get3A_46] : memref<40000xf32, #tpu.memory_space<vmem>>[vector<16xi32>], vector<16xf32>,
      %gather3A_98 = tpu.vector_load_idx %arg5[%get3A_50] : memref<40000xf32, #tpu.memory_space<vmem>>[vector<16xi32>], vector<16xf32>,
      %gather3A_99 = tpu.vector_load_idx %arg5[%get3A_54] : memref<40000xf32, #tpu.memory_space<vmem>>[vector<16xi32>], vector<16xf32>,
      %gather3A_100 = tpu.vector_load_idx %arg5[%get3A_58] : memref<40000xf32, #tpu.memory_space<vmem>>[vector<16xi32>], vector<16xf32>,
      %gather3A_101 = tpu.vector_load_idx %arg5[%get3A_62] : memref<40000xf32, #tpu.memory_space<vmem>>[vector<16xi32>], vector<16xf32>,
      %add3A_102 = arith.constant 20000 : i32
      %add3A_103 = vector.broadcast %add3A_102 : i32 to vector<16xi32>
      %add3A_104 = arith.addi %get3A_66, %add3A_103 : vector<16xi32>
      %gather3A_105 = tpu.vector_load_idx %arg5[%add3A_104] : memref<40000xf32, #tpu.memory_space<vmem>>[vector<16xi32>], vector<16xf32>,
      %add3A_106 = arith.constant 20000 : i32
      %add3A_107 = vector.broadcast %add3A_106 : i32 to vector<16xi32>
      %add3A_108 = arith.addi %get3A_70, %add3A_107 : vector<16xi32>
      %gather3A_109 = tpu.vector_load_idx %arg5[%add3A_108] : memref<40000xf32, #tpu.memory_space<vmem>>[vector<16xi32>], vector<16xf32>,
      %add3A_110 = arith.constant 20000 : i32
      %add3A_111 = vector.broadcast %add3A_110 : i32 to vector<16xi32>
      %add3A_112 = arith.addi %get3A_74, %add3A_111 : vector<16xi32>
      %gather3A_113 = tpu.vector_load_idx %arg5[%add3A_112] : memref<40000xf32, #tpu.memory_space<vmem>>[vector<16xi32>], vector<16xf32>,
      %add3A_114 = arith.constant 20000 : i32
      %add3A_115 = vector.broadcast %add3A_114 : i32 to vector<16xi32>
      %add3A_116 = arith.addi %get3A_78, %add3A_115 : vector<16xi32>
      %gather3A_117 = tpu.vector_load_idx %arg5[%add3A_116] : memref<40000xf32, #tpu.memory_space<vmem>>[vector<16xi32>], vector<16xf32>,
      %add3A_118 = arith.constant 20000 : i32
      %add3A_119 = vector.broadcast %add3A_118 : i32 to vector<16xi32>
      %add3A_120 = arith.addi %get3A_82, %add3A_119 : vector<16xi32>
      %gather3A_121 = tpu.vector_load_idx %arg5[%add3A_120] : memref<40000xf32, #tpu.memory_space<vmem>>[vector<16xi32>], vector<16xf32>,
      %add3A_122 = arith.constant 20000 : i32
      %add3A_123 = vector.broadcast %add3A_122 : i32 to vector<16xi32>
      %add3A_124 = arith.addi %get3A_86, %add3A_123 : vector<16xi32>
      %gather3A_125 = tpu.vector_load_idx %arg5[%add3A_124] : memref<40000xf32, #tpu.memory_space<vmem>>[vector<16xi32>], vector<16xf32>,
      %add3A_126 = arith.constant 20000 : i32
      %add3A_127 = vector.broadcast %add3A_126 : i32 to vector<16xi32>
      %add3A_128 = arith.addi %get3A_90, %add3A_127 : vector<16xi32>
      %gather3A_129 = tpu.vector_load_idx %arg5[%add3A_128] : memref<40000xf32, #tpu.memory_space<vmem>>[vector<16xi32>], vector<16xf32>,
      %add3A_130 = arith.constant 20000 : i32
      %add3A_131 = vector.broadcast %add3A_130 : i32 to vector<16xi32>
      %add3A_132 = arith.addi %get3A_94, %add3A_131 : vector<16xi32>
      %gather3A_133 = tpu.vector_load_idx %arg5[%add3A_132] : memref<40000xf32, #tpu.memory_space<vmem>>[vector<16xi32>], vector<16xf32>,
      %add3A_134 = arith.constant 10000 : i32
      %add3A_135 = vector.broadcast %add3A_134 : i32 to vector<16xi32>
      %add3A_136 = arith.addi %get3A_34, %add3A_135 : vector<16xi32>
      %gather3A_137 = tpu.vector_load_idx %arg5[%add3A_136] : memref<40000xf32, #tpu.memory_space<vmem>>[vector<16xi32>], vector<16xf32>,
      %add3A_138 = arith.constant 10000 : i32
      %add3A_139 = vector.broadcast %add3A_138 : i32 to vector<16xi32>
      %add3A_140 = arith.addi %get3A_38, %add3A_139 : vector<16xi32>
      %gather3A_141 = tpu.vector_load_idx %arg5[%add3A_140] : memref<40000xf32, #tpu.memory_space<vmem>>[vector<16xi32>], vector<16xf32>,
      %add3A_142 = arith.constant 10000 : i32
      %add3A_143 = vector.broadcast %add3A_142 : i32 to vector<16xi32>
      %add3A_144 = arith.addi %get3A_42, %add3A_143 : vector<16xi32>
      %gather3A_145 = tpu.vector_load_idx %arg5[%add3A_144] : memref<40000xf32, #tpu.memory_space<vmem>>[vector<16xi32>], vector<16xf32>,
      %add3A_146 = arith.constant 10000 : i32
      %add3A_147 = vector.broadcast %add3A_146 : i32 to vector<16xi32>
      %add3A_148 = arith.addi %get3A_46, %add3A_147 : vector<16xi32>
      %gather3A_149 = tpu.vector_load_idx %arg5[%add3A_148] : memref<40000xf32, #tpu.memory_space<vmem>>[vector<16xi32>], vector<16xf32>,
      %add3A_150 = arith.constant 10000 : i32
      %add3A_151 = vector.broadcast %add3A_150 : i32 to vector<16xi32>
      %add3A_152 = arith.addi %get3A_50, %add3A_151 : vector<16xi32>
      %gather3A_153 = tpu.vector_load_idx %arg5[%add3A_152] : memref<40000xf32, #tpu.memory_space<vmem>>[vector<16xi32>], vector<16xf32>,
      %add3A_154 = arith.constant 10000 : i32
      %add3A_155 = vector.broadcast %add3A_154 : i32 to vector<16xi32>
      %add3A_156 = arith.addi %get3A_54, %add3A_155 : vector<16xi32>
      %gather3A_157 = tpu.vector_load_idx %arg5[%add3A_156] : memref<40000xf32, #tpu.memory_space<vmem>>[vector<16xi32>], vector<16xf32>,
      %add3A_158 = arith.constant 10000 : i32
      %add3A_159 = vector.broadcast %add3A_158 : i32 to vector<16xi32>
      %add3A_160 = arith.addi %get3A_58, %add3A_159 : vector<16xi32>
      %gather3A_161 = tpu.vector_load_idx %arg5[%add3A_160] : memref<40000xf32, #tpu.memory_space<vmem>>[vector<16xi32>], vector<16xf32>,
      %add3A_162 = arith.constant 10000 : i32
      %add3A_163 = vector.broadcast %add3A_162 : i32 to vector<16xi32>
      %add3A_164 = arith.addi %get3A_62, %add3A_163 : vector<16xi32>
      %gather3A_165 = tpu.vector_load_idx %arg5[%add3A_164] : memref<40000xf32, #tpu.memory_space<vmem>>[vector<16xi32>], vector<16xf32>,
      %add3A_166 = arith.constant 30000 : i32
      %add3A_167 = vector.broadcast %add3A_166 : i32 to vector<16xi32>
      %add3A_168 = arith.addi %get3A_66, %add3A_167 : vector<16xi32>
      %gather3A_169 = tpu.vector_load_idx %arg5[%add3A_168] : memref<40000xf32, #tpu.memory_space<vmem>>[vector<16xi32>], vector<16xf32>,
      %add3A_170 = arith.constant 30000 : i32
      %add3A_171 = vector.broadcast %add3A_170 : i32 to vector<16xi32>
      %add3A_172 = arith.addi %get3A_70, %add3A_171 : vector<16xi32>
      %gather3A_173 = tpu.vector_load_idx %arg5[%add3A_172] : memref<40000xf32, #tpu.memory_space<vmem>>[vector<16xi32>], vector<16xf32>,
      %add3A_174 = arith.constant 30000 : i32
      %add3A_175 = vector.broadcast %add3A_174 : i32 to vector<16xi32>
      %add3A_176 = arith.addi %get3A_74, %add3A_175 : vector<16xi32>
      %gather3A_177 = tpu.vector_load_idx %arg5[%add3A_176] : memref<40000xf32, #tpu.memory_space<vmem>>[vector<16xi32>], vector<16xf32>,
      %add3A_178 = arith.constant 30000 : i32
      %add3A_179 = vector.broadcast %add3A_178 : i32 to vector<16xi32>
      %add3A_180 = arith.addi %get3A_78, %add3A_179 : vector<16xi32>
      %gather3A_181 = tpu.vector_load_idx %arg5[%add3A_180] : memref<40000xf32, #tpu.memory_space<vmem>>[vector<16xi32>], vector<16xf32>,
      %add3A_182 = arith.constant 30000 : i32
      %add3A_183 = vector.broadcast %add3A_182 : i32 to vector<16xi32>
      %add3A_184 = arith.addi %get3A_82, %add3A_183 : vector<16xi32>
      %gather3A_185 = tpu.vector_load_idx %arg5[%add3A_184] : memref<40000xf32, #tpu.memory_space<vmem>>[vector<16xi32>], vector<16xf32>,
      %add3A_186 = arith.constant 30000 : i32
      %add3A_187 = vector.broadcast %add3A_186 : i32 to vector<16xi32>
      %add3A_188 = arith.addi %get3A_86, %add3A_187 : vector<16xi32>
      %gather3A_189 = tpu.vector_load_idx %arg5[%add3A_188] : memref<40000xf32, #tpu.memory_space<vmem>>[vector<16xi32>], vector<16xf32>,
      %add3A_190 = arith.constant 30000 : i32
      %add3A_191 = vector.broadcast %add3A_190 : i32 to vector<16xi32>
      %add3A_192 = arith.addi %get3A_90, %add3A_191 : vector<16xi32>
      %gather3A_193 = tpu.vector_load_idx %arg5[%add3A_192] : memref<40000xf32, #tpu.memory_space<vmem>>[vector<16xi32>], vector<16xf32>,
      %add3A_194 = arith.constant 30000 : i32
      %add3A_195 = vector.broadcast %add3A_194 : i32 to vector<16xi32>
      %add3A_196 = arith.addi %get3A_94, %add3A_195 : vector<16xi32>
      %gather3A_197 = tpu.vector_load_idx %arg5[%add3A_196] : memref<40000xf32, #tpu.memory_space<vmem>>[vector<16xi32>], vector<16xf32>,
      %add3A_198 = arith.addf %gather3A, %gather3A_105 : vector<16xf32>
      %add3A_199 = arith.addf %gather3A_95, %gather3A_109 : vector<16xf32>
      %add3A_200 = arith.addf %gather3A_96, %gather3A_113 : vector<16xf32>
      %add3A_201 = arith.addf %gather3A_97, %gather3A_117 : vector<16xf32>
      %add3A_202 = arith.addf %gather3A_98, %gather3A_121 : vector<16xf32>
      %add3A_203 = arith.addf %gather3A_99, %gather3A_125 : vector<16xf32>
      %add3A_204 = arith.addf %gather3A_100, %gather3A_129 : vector<16xf32>
      %add3A_205 = arith.addf %gather3A_101, %gather3A_133 : vector<16xf32>
      %add3A_206 = arith.addf %gather3A_137, %gather3A_169 : vector<16xf32>
      %add3A_207 = arith.addf %gather3A_141, %gather3A_173 : vector<16xf32>
      %add3A_208 = arith.addf %gather3A_145, %gather3A_177 : vector<16xf32>
      %add3A_209 = arith.addf %gather3A_149, %gather3A_181 : vector<16xf32>
      %add3A_210 = arith.addf %gather3A_153, %gather3A_185 : vector<16xf32>
      %add3A_211 = arith.addf %gather3A_157, %gather3A_189 : vector<16xf32>
      %add3A_212 = arith.addf %gather3A_161, %gather3A_193 : vector<16xf32>
      %add3A_213 = arith.addf %gather3A_165, %gather3A_197 : vector<16xf32>
      %exp3A = math.exp %add3A_198 : vector<16xf32>
      %exp3A_214 = math.exp %add3A_199 : vector<16xf32>
      %exp3A_215 = math.exp %add3A_200 : vector<16xf32>
      %exp3A_216 = math.exp %add3A_201 : vector<16xf32>
      %exp3A_217 = math.exp %add3A_202 : vector<16xf32>
      %exp3A_218 = math.exp %add3A_203 : vector<16xf32>
      %exp3A_219 = math.exp %add3A_204 : vector<16xf32>
      %exp3A_220 = math.exp %add3A_205 : vector<16xf32>
      %exp3A_221 = math.exp %add3A_206 : vector<16xf32>
      %exp3A_222 = math.exp %add3A_207 : vector<16xf32>
      %exp3A_223 = math.exp %add3A_208 : vector<16xf32>
      %exp3A_224 = math.exp %add3A_209 : vector<16xf32>
      %exp3A_225 = math.exp %add3A_210 : vector<16xf32>
      %exp3A_226 = math.exp %add3A_211 : vector<16xf32>
      %exp3A_227 = math.exp %add3A_212 : vector<16xf32>
      %exp3A_228 = math.exp %add3A_213 : vector<16xf32>
      %add3A_229 = arith.constant 1.000000e+00 : f32
      %add3A_230 = vector.broadcast %add3A_229 : f32 to vector<16xf32>
      %add3A_231 = arith.addf %add3A_230, %exp3A : vector<16xf32>
      %div3A_232 = arith.constant 1.000000e+00 : f32
      %div3A_233 = vector.broadcast %div3A_232 : f32 to vector<16xf32>
      %div3A_234 = arith.divf %div3A_233, %add3A_231 : vector<16xf32>
      %add3A_235 = arith.constant 1.000000e+00 : f32
      %add3A_236 = vector.broadcast %add3A_235 : f32 to vector<16xf32>
      %add3A_237 = arith.addf %add3A_236, %exp3A_214 : vector<16xf32>
      %div3A_238 = arith.constant 1.000000e+00 : f32
      %div3A_239 = vector.broadcast %div3A_238 : f32 to vector<16xf32>
      %div3A_240 = arith.divf %div3A_239, %add3A_237 : vector<16xf32>
      %add3A_241 = arith.constant 1.000000e+00 : f32
      %add3A_242 = vector.broadcast %add3A_241 : f32 to vector<16xf32>
      %add3A_243 = arith.addf %add3A_242, %exp3A_215 : vector<16xf32>
      %div3A_244 = arith.constant 1.000000e+00 : f32
      %div3A_245 = vector.broadcast %div3A_244 : f32 to vector<16xf32>
      %div3A_246 = arith.divf %div3A_245, %add3A_243 : vector<16xf32>
      %add3A_247 = arith.constant 1.000000e+00 : f32
      %add3A_248 = vector.broadcast %add3A_247 : f32 to vector<16xf32>
      %add3A_249 = arith.addf %add3A_248, %exp3A_216 : vector<16xf32>
      %div3A_250 = arith.constant 1.000000e+00 : f32
      %div3A_251 = vector.broadcast %div3A_250 : f32 to vector<16xf32>
      %div3A_252 = arith.divf %div3A_251, %add3A_249 : vector<16xf32>
      %add3A_253 = arith.constant 1.000000e+00 : f32
      %add3A_254 = vector.broadcast %add3A_253 : f32 to vector<16xf32>
      %add3A_255 = arith.addf %add3A_254, %exp3A_217 : vector<16xf32>
      %div3A_256 = arith.constant 1.000000e+00 : f32
      %div3A_257 = vector.broadcast %div3A_256 : f32 to vector<16xf32>
      %div3A_258 = arith.divf %div3A_257, %add3A_255 : vector<16xf32>
      %add3A_259 = arith.constant 1.000000e+00 : f32
      %add3A_260 = vector.broadcast %add3A_259 : f32 to vector<16xf32>
      %add3A_261 = arith.addf %add3A_260, %exp3A_218 : vector<16xf32>
      %div3A_262 = arith.constant 1.000000e+00 : f32
      %div3A_263 = vector.broadcast %div3A_262 : f32 to vector<16xf32>
      %div3A_264 = arith.divf %div3A_263, %add3A_261 : vector<16xf32>
      %add3A_265 = arith.constant 1.000000e+00 : f32
      %add3A_266 = vector.broadcast %add3A_265 : f32 to vector<16xf32>
      %add3A_267 = arith.addf %add3A_266, %exp3A_219 : vector<16xf32>
      %div3A_268 = arith.constant 1.000000e+00 : f32
      %div3A_269 = vector.broadcast %div3A_268 : f32 to vector<16xf32>
      %div3A_270 = arith.divf %div3A_269, %add3A_267 : vector<16xf32>
      %add3A_271 = arith.constant 1.000000e+00 : f32
      %add3A_272 = vector.broadcast %add3A_271 : f32 to vector<16xf32>
      %add3A_273 = arith.addf %add3A_272, %exp3A_220 : vector<16xf32>
      %div3A_274 = arith.constant 1.000000e+00 : f32
      %div3A_275 = vector.broadcast %div3A_274 : f32 to vector<16xf32>
      %div3A_276 = arith.divf %div3A_275, %add3A_273 : vector<16xf32>
      %add3A_277 = arith.constant 1.000000e+00 : f32
      %add3A_278 = vector.broadcast %add3A_277 : f32 to vector<16xf32>
      %add3A_279 = arith.addf %add3A_278, %exp3A_221 : vector<16xf32>
      %div3A_280 = arith.constant 1.000000e+00 : f32
      %div3A_281 = vector.broadcast %div3A_280 : f32 to vector<16xf32>
      %div3A_282 = arith.divf %div3A_281, %add3A_279 : vector<16xf32>
      %add3A_283 = arith.constant 1.000000e+00 : f32
      %add3A_284 = vector.broadcast %add3A_283 : f32 to vector<16xf32>
      %add3A_285 = arith.addf %add3A_284, %exp3A_222 : vector<16xf32>
      %div3A_286 = arith.constant 1.000000e+00 : f32
      %div3A_287 = vector.broadcast %div3A_286 : f32 to vector<16xf32>
      %div3A_288 = arith.divf %div3A_287, %add3A_285 : vector<16xf32>
      %add3A_289 = arith.constant 1.000000e+00 : f32
      %add3A_290 = vector.broadcast %add3A_289 : f32 to vector<16xf32>
      %add3A_291 = arith.addf %add3A_290, %exp3A_223 : vector<16xf32>
      %div3A_292 = arith.constant 1.000000e+00 : f32
      %div3A_293 = vector.broadcast %div3A_292 : f32 to vector<16xf32>
      %div3A_294 = arith.divf %div3A_293, %add3A_291 : vector<16xf32>
      %add3A_295 = arith.constant 1.000000e+00 : f32
      %add3A_296 = vector.broadcast %add3A_295 : f32 to vector<16xf32>
      %add3A_297 = arith.addf %add3A_296, %exp3A_224 : vector<16xf32>
      %div3A_298 = arith.constant 1.000000e+00 : f32
      %div3A_299 = vector.broadcast %div3A_298 : f32 to vector<16xf32>
      %div3A_300 = arith.divf %div3A_299, %add3A_297 : vector<16xf32>
      %add3A_301 = arith.constant 1.000000e+00 : f32
      %add3A_302 = vector.broadcast %add3A_301 : f32 to vector<16xf32>
      %add3A_303 = arith.addf %add3A_302, %exp3A_225 : vector<16xf32>
      %div3A_304 = arith.constant 1.000000e+00 : f32
      %div3A_305 = vector.broadcast %div3A_304 : f32 to vector<16xf32>
      %div3A_306 = arith.divf %div3A_305, %add3A_303 : vector<16xf32>
      %add3A_307 = arith.constant 1.000000e+00 : f32
      %add3A_308 = vector.broadcast %add3A_307 : f32 to vector<16xf32>
      %add3A_309 = arith.addf %add3A_308, %exp3A_226 : vector<16xf32>
      %div3A_310 = arith.constant 1.000000e+00 : f32
      %div3A_311 = vector.broadcast %div3A_310 : f32 to vector<16xf32>
      %div3A_312 = arith.divf %div3A_311, %add3A_309 : vector<16xf32>
      %add3A_313 = arith.constant 1.000000e+00 : f32
      %add3A_314 = vector.broadcast %add3A_313 : f32 to vector<16xf32>
      %add3A_315 = arith.addf %add3A_314, %exp3A_227 : vector<16xf32>
      %div3A_316 = arith.constant 1.000000e+00 : f32
      %div3A_317 = vector.broadcast %div3A_316 : f32 to vector<16xf32>
      %div3A_318 = arith.divf %div3A_317, %add3A_315 : vector<16xf32>
      %add3A_319 = arith.constant 1.000000e+00 : f32
      %add3A_320 = vector.broadcast %add3A_319 : f32 to vector<16xf32>
      %add3A_321 = arith.addf %add3A_320, %exp3A_228 : vector<16xf32>
      %div3A_322 = arith.constant 1.000000e+00 : f32
      %div3A_323 = vector.broadcast %div3A_322 : f32 to vector<16xf32>
      %div3A_324 = arith.divf %div3A_323, %add3A_321 : vector<16xf32>
      %add3A_325 = arith.constant 0 : i32
      %add3A_326 = arith.addi %mul3A_15, %add3A_325 : i32
      %swap3A = arith.index_cast %add3A_326 : i32 to index
      %swap3A_327 = tpu.vector_load %arg8[%swap3A] {strides = array<i32>} : memref<19968xf32, #tpu.memory_space<vmem>>, vector<16xf32>,
      tpu.vector_store %arg8[%swap3A], %div3A_234 {strides = array<i32>} : memref<19968xf32, #tpu.memory_space<vmem>>, vector<16xf32>,
      %add3A_328 = arith.constant 16 : i32
      %add3A_329 = arith.addi %mul3A_15, %add3A_328 : i32
      %swap3A_330 = arith.index_cast %add3A_329 : i32 to index
      %swap3A_331 = tpu.vector_load %arg8[%swap3A_330] {strides = array<i32>} : memref<19968xf32, #tpu.memory_space<vmem>>, vector<16xf32>,
      tpu.vector_store %arg8[%swap3A_330], %div3A_240 {strides = array<i32>} : memref<19968xf32, #tpu.memory_space<vmem>>, vector<16xf32>,
      %add3A_332 = arith.constant 32 : i32
      %add3A_333 = arith.addi %mul3A_15, %add3A_332 : i32
      %swap3A_334 = arith.index_cast %add3A_333 : i32 to index
      %swap3A_335 = tpu.vector_load %arg8[%swap3A_334] {strides = array<i32>} : memref<19968xf32, #tpu.memory_space<vmem>>, vector<16xf32>,
      tpu.vector_store %arg8[%swap3A_334], %div3A_246 {strides = array<i32>} : memref<19968xf32, #tpu.memory_space<vmem>>, vector<16xf32>,
      %add3A_336 = arith.constant 48 : i32
      %add3A_337 = arith.addi %mul3A_15, %add3A_336 : i32
      %swap3A_338 = arith.index_cast %add3A_337 : i32 to index
      %swap3A_339 = tpu.vector_load %arg8[%swap3A_338] {strides = array<i32>} : memref<19968xf32, #tpu.memory_space<vmem>>, vector<16xf32>,
      tpu.vector_store %arg8[%swap3A_338], %div3A_252 {strides = array<i32>} : memref<19968xf32, #tpu.memory_space<vmem>>, vector<16xf32>,
      %add3A_340 = arith.constant 64 : i32
      %add3A_341 = arith.addi %mul3A_15, %add3A_340 : i32
      %swap3A_342 = arith.index_cast %add3A_341 : i32 to index
      %swap3A_343 = tpu.vector_load %arg8[%swap3A_342] {strides = array<i32>} : memref<19968xf32, #tpu.memory_space<vmem>>, vector<16xf32>,
      tpu.vector_store %arg8[%swap3A_342], %div3A_258 {strides = array<i32>} : memref<19968xf32, #tpu.memory_space<vmem>>, vector<16xf32>,
      %add3A_344 = arith.constant 80 : i32
      %add3A_345 = arith.addi %mul3A_15, %add3A_344 : i32
      %swap3A_346 = arith.index_cast %add3A_345 : i32 to index
      %swap3A_347 = tpu.vector_load %arg8[%swap3A_346] {strides = array<i32>} : memref<19968xf32, #tpu.memory_space<vmem>>, vector<16xf32>,
      tpu.vector_store %arg8[%swap3A_346], %div3A_264 {strides = array<i32>} : memref<19968xf32, #tpu.memory_space<vmem>>, vector<16xf32>,
      %add3A_348 = arith.constant 96 : i32
      %add3A_349 = arith.addi %mul3A_15, %add3A_348 : i32
      %swap3A_350 = arith.index_cast %add3A_349 : i32 to index
      %swap3A_351 = tpu.vector_load %arg8[%swap3A_350] {strides = array<i32>} : memref<19968xf32, #tpu.memory_space<vmem>>, vector<16xf32>,
      tpu.vector_store %arg8[%swap3A_350], %div3A_270 {strides = array<i32>} : memref<19968xf32, #tpu.memory_space<vmem>>, vector<16xf32>,
      %add3A_352 = arith.constant 112 : i32
      %add3A_353 = arith.addi %mul3A_15, %add3A_352 : i32
      %swap3A_354 = arith.index_cast %add3A_353 : i32 to index
      %swap3A_355 = tpu.vector_load %arg8[%swap3A_354] {strides = array<i32>} : memref<19968xf32, #tpu.memory_space<vmem>>, vector<16xf32>,
      tpu.vector_store %arg8[%swap3A_354], %div3A_276 {strides = array<i32>} : memref<19968xf32, #tpu.memory_space<vmem>>, vector<16xf32>,
      %add3A_356 = arith.constant 128 : i32
      %add3A_357 = arith.addi %mul3A_15, %add3A_356 : i32
      %add3A_358 = arith.constant 0 : i32
      %add3A_359 = arith.addi %add3A_357, %add3A_358 : i32
      %swap3A_360 = arith.index_cast %add3A_359 : i32 to index
      %swap3A_361 = tpu.vector_load %arg8[%swap3A_360] {strides = array<i32>} : memref<19968xf32, #tpu.memory_space<vmem>>, vector<16xf32>,
      tpu.vector_store %arg8[%swap3A_360], %div3A_282 {strides = array<i32>} : memref<19968xf32, #tpu.memory_space<vmem>>, vector<16xf32>,
      %add3A_362 = arith.constant 128 : i32
      %add3A_363 = arith.addi %mul3A_15, %add3A_362 : i32
      %add3A_364 = arith.constant 16 : i32
      %add3A_365 = arith.addi %add3A_363, %add3A_364 : i32
      %swap3A_366 = arith.index_cast %add3A_365 : i32 to index
      %swap3A_367 = tpu.vector_load %arg8[%swap3A_366] {strides = array<i32>} : memref<19968xf32, #tpu.memory_space<vmem>>, vector<16xf32>,
      tpu.vector_store %arg8[%swap3A_366], %div3A_288 {strides = array<i32>} : memref<19968xf32, #tpu.memory_space<vmem>>, vector<16xf32>,
      %add3A_368 = arith.constant 128 : i32
      %add3A_369 = arith.addi %mul3A_15, %add3A_368 : i32
      %add3A_370 = arith.constant 32 : i32
      %add3A_371 = arith.addi %add3A_369, %add3A_370 : i32
      %swap3A_372 = arith.index_cast %add3A_371 : i32 to index
      %swap3A_373 = tpu.vector_load %arg8[%swap3A_372] {strides = array<i32>} : memref<19968xf32, #tpu.memory_space<vmem>>, vector<16xf32>,
      tpu.vector_store %arg8[%swap3A_372], %div3A_294 {strides = array<i32>} : memref<19968xf32, #tpu.memory_space<vmem>>, vector<16xf32>,
      %add3A_374 = arith.constant 128 : i32
      %add3A_375 = arith.addi %mul3A_15, %add3A_374 : i32
      %add3A_376 = arith.constant 48 : i32
      %add3A_377 = arith.addi %add3A_375, %add3A_376 : i32
      %swap3A_378 = arith.index_cast %add3A_377 : i32 to index
      %swap3A_379 = tpu.vector_load %arg8[%swap3A_378] {strides = array<i32>} : memref<19968xf32, #tpu.memory_space<vmem>>, vector<16xf32>,
      tpu.vector_store %arg8[%swap3A_378], %div3A_300 {strides = array<i32>} : memref<19968xf32, #tpu.memory_space<vmem>>, vector<16xf32>,
      %add3A_380 = arith.constant 128 : i32
      %add3A_381 = arith.addi %mul3A_15, %add3A_380 : i32
      %add3A_382 = arith.constant 64 : i32
      %add3A_383 = arith.addi %add3A_381, %add3A_382 : i32
      %swap3A_384 = arith.index_cast %add3A_383 : i32 to index
      %swap3A_385 = tpu.vector_load %arg8[%swap3A_384] {strides = array<i32>} : memref<19968xf32, #tpu.memory_space<vmem>>, vector<16xf32>,
      tpu.vector_store %arg8[%swap3A_384], %div3A_306 {strides = array<i32>} : memref<19968xf32, #tpu.memory_space<vmem>>, vector<16xf32>,
      %add3A_386 = arith.constant 128 : i32
      %add3A_387 = arith.addi %mul3A_15, %add3A_386 : i32
      %add3A_388 = arith.constant 80 : i32
      %add3A_389 = arith.addi %add3A_387, %add3A_388 : i32
      %swap3A_390 = arith.index_cast %add3A_389 : i32 to index
      %swap3A_391 = tpu.vector_load %arg8[%swap3A_390] {strides = array<i32>} : memref<19968xf32, #tpu.memory_space<vmem>>, vector<16xf32>,
      tpu.vector_store %arg8[%swap3A_390], %div3A_312 {strides = array<i32>} : memref<19968xf32, #tpu.memory_space<vmem>>, vector<16xf32>,
      %add3A_392 = arith.constant 128 : i32
      %add3A_393 = arith.addi %mul3A_15, %add3A_392 : i32
      %add3A_394 = arith.constant 96 : i32
      %add3A_395 = arith.addi %add3A_393, %add3A_394 : i32
      %swap3A_396 = arith.index_cast %add3A_395 : i32 to index
      %swap3A_397 = tpu.vector_load %arg8[%swap3A_396] {strides = array<i32>} : memref<19968xf32, #tpu.memory_space<vmem>>, vector<16xf32>,
      tpu.vector_store %arg8[%swap3A_396], %div3A_318 {strides = array<i32>} : memref<19968xf32, #tpu.memory_space<vmem>>, vector<16xf32>,
      %add3A_398 = arith.constant 128 : i32
      %add3A_399 = arith.addi %mul3A_15, %add3A_398 : i32
      %add3A_400 = arith.constant 112 : i32
      %add3A_401 = arith.addi %add3A_399, %add3A_400 : i32
      %swap3A_402 = arith.index_cast %add3A_401 : i32 to index
      %swap3A_403 = tpu.vector_load %arg8[%swap3A_402] {strides = array<i32>} : memref<19968xf32, #tpu.memory_space<vmem>>, vector<16xf32>,
      tpu.vector_store %arg8[%swap3A_402], %div3A_324 {strides = array<i32>} : memref<19968xf32, #tpu.memory_space<vmem>>, vector<16xf32>,
    }
    %scan3A_10 = arith.constant 78 : i32
    "tpu.region"() ({
      %run_scoped3A_13 = tpu.sem_alloc : memref<!tpu.dma_semaphore, #tpu.memory_space<semaphore_mem>>
      %dma_start3A = tpu.memref_slice %arg4[%mul3A_4] : memref<640000xf32, #tpu.memory_space<hbm>> -> memref<19968xf32, #tpu.memory_space<hbm>>
      %dma_start3A_14 = tpu.memref_slice %arg4[%mul3A_4] : memref<640000xf32, #tpu.memory_space<hbm>> -> memref<19968xf32, #tpu.memory_space<hbm>>
      tpu.enqueue_dma source(%arg8 : memref<19968xf32, #tpu.memory_space<vmem>>) target(%dma_start3A_14 : memref<19968xf32, #tpu.memory_space<hbm>>) target_semaphore(%run_scoped3A_13 : memref<!tpu.dma_semaphore, #tpu.memory_space<semaphore_mem>>)
      %dma_wait3A = tpu.memref_slice %arg4[%mul3A_4] : memref<640000xf32, #tpu.memory_space<hbm>> -> memref<19968xf32, #tpu.memory_space<hbm>>
      %dma_wait3A_15 = tpu.memref_slice %arg4[%mul3A_4] : memref<640000xf32, #tpu.memory_space<hbm>> -> memref<19968xf32, #tpu.memory_space<hbm>>
      tpu.wait_dma2 semaphore(%run_scoped3A_13 : memref<!tpu.dma_semaphore, #tpu.memory_space<semaphore_mem>>) src(%arg8 : memref<19968xf32, #tpu.memory_space<vmem>>) dst(%dma_wait3A_15 : memref<19968xf32, #tpu.memory_space<hbm>>)
      tpu.yield
    }) : () -> ()
    %lt3A = arith.constant 4 : i32
    %lt3A_11 = arith.cmpi slt, %add3A, %lt3A : i32
    %convert_element_type3A = arith.extui %lt3A_11 : i1 to i32
    %cond3A = arith.constant 0 : i32
    %cond3A_12 = arith.cmpi ne, %convert_element_type3A, %cond3A : i32
    scf.if %cond3A_12 {
      %add3A_13 = arith.constant 2496 : i32
      %add3A_14 = arith.addi %add3A_13, %add3A : i32
      %mul3A_15 = arith.constant 128 : i32
      %mul3A_16 = arith.muli %add3A_14, %mul3A_15 : i32
      %add3A_17 = arith.constant 2496 : i32
      %add3A_18 = arith.addi %add3A_17, %add3A : i32
      %mul3A_19 = arith.constant 256 : i32
      %mul3A_20 = arith.muli %add3A_18, %mul3A_19 : i32
      %run_scoped3A_21 = arith.constant 0 : i32
      "tpu.region"() ({
        %run_scoped3A_314 = tpu.sem_alloc : memref<!tpu.dma_semaphore, #tpu.memory_space<semaphore_mem>>
        %dma_start3A = tpu.memref_slice %arg3[%run_scoped3A_21, %mul3A_16] : memref<2x320000xi32, #tpu.memory_space<hbm>> -> memref<1x128xi32, #tpu.memory_space<hbm>>
        %dma_start3A_315 = tpu.memref_squeeze %dma_start3A : memref<1x128xi32, #tpu.memory_space<hbm>> -> memref<128xi32, #tpu.memory_space<hbm>>
        %dma_start3A_316 = tpu.memref_slice %arg3[%run_scoped3A_21, %mul3A_16] : memref<2x320000xi32, #tpu.memory_space<hbm>> -> memref<1x128xi32, #tpu.memory_space<hbm>>
        %dma_start3A_317 = tpu.memref_squeeze %dma_start3A_316 : memref<1x128xi32, #tpu.memory_space<hbm>> -> memref<128xi32, #tpu.memory_space<hbm>>
        tpu.enqueue_dma source(%dma_start3A_317 : memref<128xi32, #tpu.memory_space<hbm>>) target(%arg9 : memref<128xi32, #tpu.memory_space<vmem>>) target_semaphore(%run_scoped3A_314 : memref<!tpu.dma_semaphore, #tpu.memory_space<semaphore_mem>>)
        %dma_wait3A = tpu.memref_slice %arg3[%run_scoped3A_21, %mul3A_16] : memref<2x320000xi32, #tpu.memory_space<hbm>> -> memref<1x128xi32, #tpu.memory_space<hbm>>
        %dma_wait3A_318 = tpu.memref_squeeze %dma_wait3A : memref<1x128xi32, #tpu.memory_space<hbm>> -> memref<128xi32, #tpu.memory_space<hbm>>
        %dma_wait3A_319 = tpu.memref_slice %arg3[%run_scoped3A_21, %mul3A_16] : memref<2x320000xi32, #tpu.memory_space<hbm>> -> memref<1x128xi32, #tpu.memory_space<hbm>>
        %dma_wait3A_320 = tpu.memref_squeeze %dma_wait3A_319 : memref<1x128xi32, #tpu.memory_space<hbm>> -> memref<128xi32, #tpu.memory_space<hbm>>
        tpu.wait_dma2 semaphore(%run_scoped3A_314 : memref<!tpu.dma_semaphore, #tpu.memory_space<semaphore_mem>>) src(%dma_wait3A_320 : memref<128xi32, #tpu.memory_space<hbm>>) dst(%arg9 : memref<128xi32, #tpu.memory_space<vmem>>)
        tpu.yield
      }) : () -> ()
      %run_scoped3A_22 = arith.constant 1 : i32
      "tpu.region"() ({
        %run_scoped3A_314 = tpu.sem_alloc : memref<!tpu.dma_semaphore, #tpu.memory_space<semaphore_mem>>
        %dma_start3A = tpu.memref_slice %arg3[%run_scoped3A_22, %mul3A_16] : memref<2x320000xi32, #tpu.memory_space<hbm>> -> memref<1x128xi32, #tpu.memory_space<hbm>>
        %dma_start3A_315 = tpu.memref_squeeze %dma_start3A : memref<1x128xi32, #tpu.memory_space<hbm>> -> memref<128xi32, #tpu.memory_space<hbm>>
        %dma_start3A_316 = tpu.memref_slice %arg3[%run_scoped3A_22, %mul3A_16] : memref<2x320000xi32, #tpu.memory_space<hbm>> -> memref<1x128xi32, #tpu.memory_space<hbm>>
        %dma_start3A_317 = tpu.memref_squeeze %dma_start3A_316 : memref<1x128xi32, #tpu.memory_space<hbm>> -> memref<128xi32, #tpu.memory_space<hbm>>
        tpu.enqueue_dma source(%dma_start3A_317 : memref<128xi32, #tpu.memory_space<hbm>>) target(%arg10 : memref<128xi32, #tpu.memory_space<vmem>>) target_semaphore(%run_scoped3A_314 : memref<!tpu.dma_semaphore, #tpu.memory_space<semaphore_mem>>)
        %dma_wait3A = tpu.memref_slice %arg3[%run_scoped3A_22, %mul3A_16] : memref<2x320000xi32, #tpu.memory_space<hbm>> -> memref<1x128xi32, #tpu.memory_space<hbm>>
        %dma_wait3A_318 = tpu.memref_squeeze %dma_wait3A : memref<1x128xi32, #tpu.memory_space<hbm>> -> memref<128xi32, #tpu.memory_space<hbm>>
        %dma_wait3A_319 = tpu.memref_slice %arg3[%run_scoped3A_22, %mul3A_16] : memref<2x320000xi32, #tpu.memory_space<hbm>> -> memref<1x128xi32, #tpu.memory_space<hbm>>
        %dma_wait3A_320 = tpu.memref_squeeze %dma_wait3A_319 : memref<1x128xi32, #tpu.memory_space<hbm>> -> memref<128xi32, #tpu.memory_space<hbm>>
        tpu.wait_dma2 semaphore(%run_scoped3A_314 : memref<!tpu.dma_semaphore, #tpu.memory_space<semaphore_mem>>) src(%dma_wait3A_320 : memref<128xi32, #tpu.memory_space<hbm>>) dst(%arg10 : memref<128xi32, #tpu.memory_space<vmem>>)
        tpu.yield
      }) : () -> ()
      %get3A = arith.constant 0 : index
      %get3A_23 = tpu.vector_load %arg9[%get3A] {strides = array<i32>} : memref<128xi32, #tpu.memory_space<vmem>>, vector<16xi32>,
      %get3A_24 = arith.constant 16 : index
      %get3A_25 = tpu.vector_load %arg9[%get3A_24] {strides = array<i32>} : memref<128xi32, #tpu.memory_space<vmem>>, vector<16xi32>,
      %get3A_26 = arith.constant 32 : index
      %get3A_27 = tpu.vector_load %arg9[%get3A_26] {strides = array<i32>} : memref<128xi32, #tpu.memory_space<vmem>>, vector<16xi32>,
      %get3A_28 = arith.constant 48 : index
      %get3A_29 = tpu.vector_load %arg9[%get3A_28] {strides = array<i32>} : memref<128xi32, #tpu.memory_space<vmem>>, vector<16xi32>,
      %get3A_30 = arith.constant 64 : index
      %get3A_31 = tpu.vector_load %arg9[%get3A_30] {strides = array<i32>} : memref<128xi32, #tpu.memory_space<vmem>>, vector<16xi32>,
      %get3A_32 = arith.constant 80 : index
      %get3A_33 = tpu.vector_load %arg9[%get3A_32] {strides = array<i32>} : memref<128xi32, #tpu.memory_space<vmem>>, vector<16xi32>,
      %get3A_34 = arith.constant 96 : index
      %get3A_35 = tpu.vector_load %arg9[%get3A_34] {strides = array<i32>} : memref<128xi32, #tpu.memory_space<vmem>>, vector<16xi32>,
      %get3A_36 = arith.constant 112 : index
      %get3A_37 = tpu.vector_load %arg9[%get3A_36] {strides = array<i32>} : memref<128xi32, #tpu.memory_space<vmem>>, vector<16xi32>,
      %get3A_38 = arith.constant 0 : index
      %get3A_39 = tpu.vector_load %arg10[%get3A_38] {strides = array<i32>} : memref<128xi32, #tpu.memory_space<vmem>>, vector<16xi32>,
      %get3A_40 = arith.constant 16 : index
      %get3A_41 = tpu.vector_load %arg10[%get3A_40] {strides = array<i32>} : memref<128xi32, #tpu.memory_space<vmem>>, vector<16xi32>,
      %get3A_42 = arith.constant 32 : index
      %get3A_43 = tpu.vector_load %arg10[%get3A_42] {strides = array<i32>} : memref<128xi32, #tpu.memory_space<vmem>>, vector<16xi32>,
      %get3A_44 = arith.constant 48 : index
      %get3A_45 = tpu.vector_load %arg10[%get3A_44] {strides = array<i32>} : memref<128xi32, #tpu.memory_space<vmem>>, vector<16xi32>,
      %get3A_46 = arith.constant 64 : index
      %get3A_47 = tpu.vector_load %arg10[%get3A_46] {strides = array<i32>} : memref<128xi32, #tpu.memory_space<vmem>>, vector<16xi32>,
      %get3A_48 = arith.constant 80 : index
      %get3A_49 = tpu.vector_load %arg10[%get3A_48] {strides = array<i32>} : memref<128xi32, #tpu.memory_space<vmem>>, vector<16xi32>,
      %get3A_50 = arith.constant 96 : index
      %get3A_51 = tpu.vector_load %arg10[%get3A_50] {strides = array<i32>} : memref<128xi32, #tpu.memory_space<vmem>>, vector<16xi32>,
      %get3A_52 = arith.constant 112 : index
      %get3A_53 = tpu.vector_load %arg10[%get3A_52] {strides = array<i32>} : memref<128xi32, #tpu.memory_space<vmem>>, vector<16xi32>,
      %gather3A = tpu.vector_load_idx %arg5[%get3A_23] : memref<40000xf32, #tpu.memory_space<vmem>>[vector<16xi32>], vector<16xf32>,
      %gather3A_54 = tpu.vector_load_idx %arg5[%get3A_25] : memref<40000xf32, #tpu.memory_space<vmem>>[vector<16xi32>], vector<16xf32>,
      %gather3A_55 = tpu.vector_load_idx %arg5[%get3A_27] : memref<40000xf32, #tpu.memory_space<vmem>>[vector<16xi32>], vector<16xf32>,
      %gather3A_56 = tpu.vector_load_idx %arg5[%get3A_29] : memref<40000xf32, #tpu.memory_space<vmem>>[vector<16xi32>], vector<16xf32>,
      %gather3A_57 = tpu.vector_load_idx %arg5[%get3A_31] : memref<40000xf32, #tpu.memory_space<vmem>>[vector<16xi32>], vector<16xf32>,
      %gather3A_58 = tpu.vector_load_idx %arg5[%get3A_33] : memref<40000xf32, #tpu.memory_space<vmem>>[vector<16xi32>], vector<16xf32>,
      %gather3A_59 = tpu.vector_load_idx %arg5[%get3A_35] : memref<40000xf32, #tpu.memory_space<vmem>>[vector<16xi32>], vector<16xf32>,
      %gather3A_60 = tpu.vector_load_idx %arg5[%get3A_37] : memref<40000xf32, #tpu.memory_space<vmem>>[vector<16xi32>], vector<16xf32>,
      %add3A_61 = arith.constant 20000 : i32
      %add3A_62 = vector.broadcast %add3A_61 : i32 to vector<16xi32>
      %add3A_63 = arith.addi %get3A_39, %add3A_62 : vector<16xi32>
      %gather3A_64 = tpu.vector_load_idx %arg5[%add3A_63] : memref<40000xf32, #tpu.memory_space<vmem>>[vector<16xi32>], vector<16xf32>,
      %add3A_65 = arith.constant 20000 : i32
      %add3A_66 = vector.broadcast %add3A_65 : i32 to vector<16xi32>
      %add3A_67 = arith.addi %get3A_41, %add3A_66 : vector<16xi32>
      %gather3A_68 = tpu.vector_load_idx %arg5[%add3A_67] : memref<40000xf32, #tpu.memory_space<vmem>>[vector<16xi32>], vector<16xf32>,
      %add3A_69 = arith.constant 20000 : i32
      %add3A_70 = vector.broadcast %add3A_69 : i32 to vector<16xi32>
      %add3A_71 = arith.addi %get3A_43, %add3A_70 : vector<16xi32>
      %gather3A_72 = tpu.vector_load_idx %arg5[%add3A_71] : memref<40000xf32, #tpu.memory_space<vmem>>[vector<16xi32>], vector<16xf32>,
      %add3A_73 = arith.constant 20000 : i32
      %add3A_74 = vector.broadcast %add3A_73 : i32 to vector<16xi32>
      %add3A_75 = arith.addi %get3A_45, %add3A_74 : vector<16xi32>
      %gather3A_76 = tpu.vector_load_idx %arg5[%add3A_75] : memref<40000xf32, #tpu.memory_space<vmem>>[vector<16xi32>], vector<16xf32>,
      %add3A_77 = arith.constant 20000 : i32
      %add3A_78 = vector.broadcast %add3A_77 : i32 to vector<16xi32>
      %add3A_79 = arith.addi %get3A_47, %add3A_78 : vector<16xi32>
      %gather3A_80 = tpu.vector_load_idx %arg5[%add3A_79] : memref<40000xf32, #tpu.memory_space<vmem>>[vector<16xi32>], vector<16xf32>,
      %add3A_81 = arith.constant 20000 : i32
      %add3A_82 = vector.broadcast %add3A_81 : i32 to vector<16xi32>
      %add3A_83 = arith.addi %get3A_49, %add3A_82 : vector<16xi32>
      %gather3A_84 = tpu.vector_load_idx %arg5[%add3A_83] : memref<40000xf32, #tpu.memory_space<vmem>>[vector<16xi32>], vector<16xf32>,
      %add3A_85 = arith.constant 20000 : i32
      %add3A_86 = vector.broadcast %add3A_85 : i32 to vector<16xi32>
      %add3A_87 = arith.addi %get3A_51, %add3A_86 : vector<16xi32>
      %gather3A_88 = tpu.vector_load_idx %arg5[%add3A_87] : memref<40000xf32, #tpu.memory_space<vmem>>[vector<16xi32>], vector<16xf32>,
      %add3A_89 = arith.constant 20000 : i32
      %add3A_90 = vector.broadcast %add3A_89 : i32 to vector<16xi32>
      %add3A_91 = arith.addi %get3A_53, %add3A_90 : vector<16xi32>
      %gather3A_92 = tpu.vector_load_idx %arg5[%add3A_91] : memref<40000xf32, #tpu.memory_space<vmem>>[vector<16xi32>], vector<16xf32>,
      %add3A_93 = arith.constant 10000 : i32
      %add3A_94 = vector.broadcast %add3A_93 : i32 to vector<16xi32>
      %add3A_95 = arith.addi %get3A_23, %add3A_94 : vector<16xi32>
      %gather3A_96 = tpu.vector_load_idx %arg5[%add3A_95] : memref<40000xf32, #tpu.memory_space<vmem>>[vector<16xi32>], vector<16xf32>,
      %add3A_97 = arith.constant 10000 : i32
      %add3A_98 = vector.broadcast %add3A_97 : i32 to vector<16xi32>
      %add3A_99 = arith.addi %get3A_25, %add3A_98 : vector<16xi32>
      %gather3A_100 = tpu.vector_load_idx %arg5[%add3A_99] : memref<40000xf32, #tpu.memory_space<vmem>>[vector<16xi32>], vector<16xf32>,
      %add3A_101 = arith.constant 10000 : i32
      %add3A_102 = vector.broadcast %add3A_101 : i32 to vector<16xi32>
      %add3A_103 = arith.addi %get3A_27, %add3A_102 : vector<16xi32>
      %gather3A_104 = tpu.vector_load_idx %arg5[%add3A_103] : memref<40000xf32, #tpu.memory_space<vmem>>[vector<16xi32>], vector<16xf32>,
      %add3A_105 = arith.constant 10000 : i32
      %add3A_106 = vector.broadcast %add3A_105 : i32 to vector<16xi32>
      %add3A_107 = arith.addi %get3A_29, %add3A_106 : vector<16xi32>
      %gather3A_108 = tpu.vector_load_idx %arg5[%add3A_107] : memref<40000xf32, #tpu.memory_space<vmem>>[vector<16xi32>], vector<16xf32>,
      %add3A_109 = arith.constant 10000 : i32
      %add3A_110 = vector.broadcast %add3A_109 : i32 to vector<16xi32>
      %add3A_111 = arith.addi %get3A_31, %add3A_110 : vector<16xi32>
      %gather3A_112 = tpu.vector_load_idx %arg5[%add3A_111] : memref<40000xf32, #tpu.memory_space<vmem>>[vector<16xi32>], vector<16xf32>,
      %add3A_113 = arith.constant 10000 : i32
      %add3A_114 = vector.broadcast %add3A_113 : i32 to vector<16xi32>
      %add3A_115 = arith.addi %get3A_33, %add3A_114 : vector<16xi32>
      %gather3A_116 = tpu.vector_load_idx %arg5[%add3A_115] : memref<40000xf32, #tpu.memory_space<vmem>>[vector<16xi32>], vector<16xf32>,
      %add3A_117 = arith.constant 10000 : i32
      %add3A_118 = vector.broadcast %add3A_117 : i32 to vector<16xi32>
      %add3A_119 = arith.addi %get3A_35, %add3A_118 : vector<16xi32>
      %gather3A_120 = tpu.vector_load_idx %arg5[%add3A_119] : memref<40000xf32, #tpu.memory_space<vmem>>[vector<16xi32>], vector<16xf32>,
      %add3A_121 = arith.constant 10000 : i32
      %add3A_122 = vector.broadcast %add3A_121 : i32 to vector<16xi32>
      %add3A_123 = arith.addi %get3A_37, %add3A_122 : vector<16xi32>
      %gather3A_124 = tpu.vector_load_idx %arg5[%add3A_123] : memref<40000xf32, #tpu.memory_space<vmem>>[vector<16xi32>], vector<16xf32>,
      %add3A_125 = arith.constant 30000 : i32
      %add3A_126 = vector.broadcast %add3A_125 : i32 to vector<16xi32>
      %add3A_127 = arith.addi %get3A_39, %add3A_126 : vector<16xi32>
      %gather3A_128 = tpu.vector_load_idx %arg5[%add3A_127] : memref<40000xf32, #tpu.memory_space<vmem>>[vector<16xi32>], vector<16xf32>,
      %add3A_129 = arith.constant 30000 : i32
      %add3A_130 = vector.broadcast %add3A_129 : i32 to vector<16xi32>
      %add3A_131 = arith.addi %get3A_41, %add3A_130 : vector<16xi32>
      %gather3A_132 = tpu.vector_load_idx %arg5[%add3A_131] : memref<40000xf32, #tpu.memory_space<vmem>>[vector<16xi32>], vector<16xf32>,
      %add3A_133 = arith.constant 30000 : i32
      %add3A_134 = vector.broadcast %add3A_133 : i32 to vector<16xi32>
      %add3A_135 = arith.addi %get3A_43, %add3A_134 : vector<16xi32>
      %gather3A_136 = tpu.vector_load_idx %arg5[%add3A_135] : memref<40000xf32, #tpu.memory_space<vmem>>[vector<16xi32>], vector<16xf32>,
      %add3A_137 = arith.constant 30000 : i32
      %add3A_138 = vector.broadcast %add3A_137 : i32 to vector<16xi32>
      %add3A_139 = arith.addi %get3A_45, %add3A_138 : vector<16xi32>
      %gather3A_140 = tpu.vector_load_idx %arg5[%add3A_139] : memref<40000xf32, #tpu.memory_space<vmem>>[vector<16xi32>], vector<16xf32>,
      %add3A_141 = arith.constant 30000 : i32
      %add3A_142 = vector.broadcast %add3A_141 : i32 to vector<16xi32>
      %add3A_143 = arith.addi %get3A_47, %add3A_142 : vector<16xi32>
      %gather3A_144 = tpu.vector_load_idx %arg5[%add3A_143] : memref<40000xf32, #tpu.memory_space<vmem>>[vector<16xi32>], vector<16xf32>,
      %add3A_145 = arith.constant 30000 : i32
      %add3A_146 = vector.broadcast %add3A_145 : i32 to vector<16xi32>
      %add3A_147 = arith.addi %get3A_49, %add3A_146 : vector<16xi32>
      %gather3A_148 = tpu.vector_load_idx %arg5[%add3A_147] : memref<40000xf32, #tpu.memory_space<vmem>>[vector<16xi32>], vector<16xf32>,
      %add3A_149 = arith.constant 30000 : i32
      %add3A_150 = vector.broadcast %add3A_149 : i32 to vector<16xi32>
      %add3A_151 = arith.addi %get3A_51, %add3A_150 : vector<16xi32>
      %gather3A_152 = tpu.vector_load_idx %arg5[%add3A_151] : memref<40000xf32, #tpu.memory_space<vmem>>[vector<16xi32>], vector<16xf32>,
      %add3A_153 = arith.constant 30000 : i32
      %add3A_154 = vector.broadcast %add3A_153 : i32 to vector<16xi32>
      %add3A_155 = arith.addi %get3A_53, %add3A_154 : vector<16xi32>
      %gather3A_156 = tpu.vector_load_idx %arg5[%add3A_155] : memref<40000xf32, #tpu.memory_space<vmem>>[vector<16xi32>], vector<16xf32>,
      %add3A_157 = arith.addf %gather3A, %gather3A_64 : vector<16xf32>
      %add3A_158 = arith.addf %gather3A_54, %gather3A_68 : vector<16xf32>
      %add3A_159 = arith.addf %gather3A_55, %gather3A_72 : vector<16xf32>
      %add3A_160 = arith.addf %gather3A_56, %gather3A_76 : vector<16xf32>
      %add3A_161 = arith.addf %gather3A_57, %gather3A_80 : vector<16xf32>
      %add3A_162 = arith.addf %gather3A_58, %gather3A_84 : vector<16xf32>
      %add3A_163 = arith.addf %gather3A_59, %gather3A_88 : vector<16xf32>
      %add3A_164 = arith.addf %gather3A_60, %gather3A_92 : vector<16xf32>
      %add3A_165 = arith.addf %gather3A_96, %gather3A_128 : vector<16xf32>
      %add3A_166 = arith.addf %gather3A_100, %gather3A_132 : vector<16xf32>
      %add3A_167 = arith.addf %gather3A_104, %gather3A_136 : vector<16xf32>
      %add3A_168 = arith.addf %gather3A_108, %gather3A_140 : vector<16xf32>
      %add3A_169 = arith.addf %gather3A_112, %gather3A_144 : vector<16xf32>
      %add3A_170 = arith.addf %gather3A_116, %gather3A_148 : vector<16xf32>
      %add3A_171 = arith.addf %gather3A_120, %gather3A_152 : vector<16xf32>
      %add3A_172 = arith.addf %gather3A_124, %gather3A_156 : vector<16xf32>
      %exp3A = math.exp %add3A_157 : vector<16xf32>
      %exp3A_173 = math.exp %add3A_158 : vector<16xf32>
      %exp3A_174 = math.exp %add3A_159 : vector<16xf32>
      %exp3A_175 = math.exp %add3A_160 : vector<16xf32>
      %exp3A_176 = math.exp %add3A_161 : vector<16xf32>
      %exp3A_177 = math.exp %add3A_162 : vector<16xf32>
      %exp3A_178 = math.exp %add3A_163 : vector<16xf32>
      %exp3A_179 = math.exp %add3A_164 : vector<16xf32>
      %exp3A_180 = math.exp %add3A_165 : vector<16xf32>
      %exp3A_181 = math.exp %add3A_166 : vector<16xf32>
      %exp3A_182 = math.exp %add3A_167 : vector<16xf32>
      %exp3A_183 = math.exp %add3A_168 : vector<16xf32>
      %exp3A_184 = math.exp %add3A_169 : vector<16xf32>
      %exp3A_185 = math.exp %add3A_170 : vector<16xf32>
      %exp3A_186 = math.exp %add3A_171 : vector<16xf32>
      %exp3A_187 = math.exp %add3A_172 : vector<16xf32>
      %add3A_188 = arith.constant 1.000000e+00 : f32
      %add3A_189 = vector.broadcast %add3A_188 : f32 to vector<16xf32>
      %add3A_190 = arith.addf %add3A_189, %exp3A : vector<16xf32>
      %div3A = arith.constant 1.000000e+00 : f32
      %div3A_191 = vector.broadcast %div3A : f32 to vector<16xf32>
      %div3A_192 = arith.divf %div3A_191, %add3A_190 : vector<16xf32>
      %add3A_193 = arith.constant 1.000000e+00 : f32
      %add3A_194 = vector.broadcast %add3A_193 : f32 to vector<16xf32>
      %add3A_195 = arith.addf %add3A_194, %exp3A_173 : vector<16xf32>
      %div3A_196 = arith.constant 1.000000e+00 : f32
      %div3A_197 = vector.broadcast %div3A_196 : f32 to vector<16xf32>
      %div3A_198 = arith.divf %div3A_197, %add3A_195 : vector<16xf32>
      %add3A_199 = arith.constant 1.000000e+00 : f32
      %add3A_200 = vector.broadcast %add3A_199 : f32 to vector<16xf32>
      %add3A_201 = arith.addf %add3A_200, %exp3A_174 : vector<16xf32>
      %div3A_202 = arith.constant 1.000000e+00 : f32
      %div3A_203 = vector.broadcast %div3A_202 : f32 to vector<16xf32>
      %div3A_204 = arith.divf %div3A_203, %add3A_201 : vector<16xf32>
      %add3A_205 = arith.constant 1.000000e+00 : f32
      %add3A_206 = vector.broadcast %add3A_205 : f32 to vector<16xf32>
      %add3A_207 = arith.addf %add3A_206, %exp3A_175 : vector<16xf32>
      %div3A_208 = arith.constant 1.000000e+00 : f32
      %div3A_209 = vector.broadcast %div3A_208 : f32 to vector<16xf32>
      %div3A_210 = arith.divf %div3A_209, %add3A_207 : vector<16xf32>
      %add3A_211 = arith.constant 1.000000e+00 : f32
      %add3A_212 = vector.broadcast %add3A_211 : f32 to vector<16xf32>
      %add3A_213 = arith.addf %add3A_212, %exp3A_176 : vector<16xf32>
      %div3A_214 = arith.constant 1.000000e+00 : f32
      %div3A_215 = vector.broadcast %div3A_214 : f32 to vector<16xf32>
      %div3A_216 = arith.divf %div3A_215, %add3A_213 : vector<16xf32>
      %add3A_217 = arith.constant 1.000000e+00 : f32
      %add3A_218 = vector.broadcast %add3A_217 : f32 to vector<16xf32>
      %add3A_219 = arith.addf %add3A_218, %exp3A_177 : vector<16xf32>
      %div3A_220 = arith.constant 1.000000e+00 : f32
      %div3A_221 = vector.broadcast %div3A_220 : f32 to vector<16xf32>
      %div3A_222 = arith.divf %div3A_221, %add3A_219 : vector<16xf32>
      %add3A_223 = arith.constant 1.000000e+00 : f32
      %add3A_224 = vector.broadcast %add3A_223 : f32 to vector<16xf32>
      %add3A_225 = arith.addf %add3A_224, %exp3A_178 : vector<16xf32>
      %div3A_226 = arith.constant 1.000000e+00 : f32
      %div3A_227 = vector.broadcast %div3A_226 : f32 to vector<16xf32>
      %div3A_228 = arith.divf %div3A_227, %add3A_225 : vector<16xf32>
      %add3A_229 = arith.constant 1.000000e+00 : f32
      %add3A_230 = vector.broadcast %add3A_229 : f32 to vector<16xf32>
      %add3A_231 = arith.addf %add3A_230, %exp3A_179 : vector<16xf32>
      %div3A_232 = arith.constant 1.000000e+00 : f32
      %div3A_233 = vector.broadcast %div3A_232 : f32 to vector<16xf32>
      %div3A_234 = arith.divf %div3A_233, %add3A_231 : vector<16xf32>
      %add3A_235 = arith.constant 1.000000e+00 : f32
      %add3A_236 = vector.broadcast %add3A_235 : f32 to vector<16xf32>
      %add3A_237 = arith.addf %add3A_236, %exp3A_180 : vector<16xf32>
      %div3A_238 = arith.constant 1.000000e+00 : f32
      %div3A_239 = vector.broadcast %div3A_238 : f32 to vector<16xf32>
      %div3A_240 = arith.divf %div3A_239, %add3A_237 : vector<16xf32>
      %add3A_241 = arith.constant 1.000000e+00 : f32
      %add3A_242 = vector.broadcast %add3A_241 : f32 to vector<16xf32>
      %add3A_243 = arith.addf %add3A_242, %exp3A_181 : vector<16xf32>
      %div3A_244 = arith.constant 1.000000e+00 : f32
      %div3A_245 = vector.broadcast %div3A_244 : f32 to vector<16xf32>
      %div3A_246 = arith.divf %div3A_245, %add3A_243 : vector<16xf32>
      %add3A_247 = arith.constant 1.000000e+00 : f32
      %add3A_248 = vector.broadcast %add3A_247 : f32 to vector<16xf32>
      %add3A_249 = arith.addf %add3A_248, %exp3A_182 : vector<16xf32>
      %div3A_250 = arith.constant 1.000000e+00 : f32
      %div3A_251 = vector.broadcast %div3A_250 : f32 to vector<16xf32>
      %div3A_252 = arith.divf %div3A_251, %add3A_249 : vector<16xf32>
      %add3A_253 = arith.constant 1.000000e+00 : f32
      %add3A_254 = vector.broadcast %add3A_253 : f32 to vector<16xf32>
      %add3A_255 = arith.addf %add3A_254, %exp3A_183 : vector<16xf32>
      %div3A_256 = arith.constant 1.000000e+00 : f32
      %div3A_257 = vector.broadcast %div3A_256 : f32 to vector<16xf32>
      %div3A_258 = arith.divf %div3A_257, %add3A_255 : vector<16xf32>
      %add3A_259 = arith.constant 1.000000e+00 : f32
      %add3A_260 = vector.broadcast %add3A_259 : f32 to vector<16xf32>
      %add3A_261 = arith.addf %add3A_260, %exp3A_184 : vector<16xf32>
      %div3A_262 = arith.constant 1.000000e+00 : f32
      %div3A_263 = vector.broadcast %div3A_262 : f32 to vector<16xf32>
      %div3A_264 = arith.divf %div3A_263, %add3A_261 : vector<16xf32>
      %add3A_265 = arith.constant 1.000000e+00 : f32
      %add3A_266 = vector.broadcast %add3A_265 : f32 to vector<16xf32>
      %add3A_267 = arith.addf %add3A_266, %exp3A_185 : vector<16xf32>
      %div3A_268 = arith.constant 1.000000e+00 : f32
      %div3A_269 = vector.broadcast %div3A_268 : f32 to vector<16xf32>
      %div3A_270 = arith.divf %div3A_269, %add3A_267 : vector<16xf32>
      %add3A_271 = arith.constant 1.000000e+00 : f32
      %add3A_272 = vector.broadcast %add3A_271 : f32 to vector<16xf32>
      %add3A_273 = arith.addf %add3A_272, %exp3A_186 : vector<16xf32>
      %div3A_274 = arith.constant 1.000000e+00 : f32
      %div3A_275 = vector.broadcast %div3A_274 : f32 to vector<16xf32>
      %div3A_276 = arith.divf %div3A_275, %add3A_273 : vector<16xf32>
      %add3A_277 = arith.constant 1.000000e+00 : f32
      %add3A_278 = vector.broadcast %add3A_277 : f32 to vector<16xf32>
      %add3A_279 = arith.addf %add3A_278, %exp3A_187 : vector<16xf32>
      %div3A_280 = arith.constant 1.000000e+00 : f32
      %div3A_281 = vector.broadcast %div3A_280 : f32 to vector<16xf32>
      %div3A_282 = arith.divf %div3A_281, %add3A_279 : vector<16xf32>
      %swap3A = arith.constant 0 : index
      %swap3A_283 = tpu.vector_load %arg11[%swap3A] {strides = array<i32>} : memref<256xf32, #tpu.memory_space<vmem>>, vector<16xf32>,
      tpu.vector_store %arg11[%swap3A], %div3A_192 {strides = array<i32>} : memref<256xf32, #tpu.memory_space<vmem>>, vector<16xf32>,
      %swap3A_284 = arith.constant 16 : index
      %swap3A_285 = tpu.vector_load %arg11[%swap3A_284] {strides = array<i32>} : memref<256xf32, #tpu.memory_space<vmem>>, vector<16xf32>,
      tpu.vector_store %arg11[%swap3A_284], %div3A_198 {strides = array<i32>} : memref<256xf32, #tpu.memory_space<vmem>>, vector<16xf32>,
      %swap3A_286 = arith.constant 32 : index
      %swap3A_287 = tpu.vector_load %arg11[%swap3A_286] {strides = array<i32>} : memref<256xf32, #tpu.memory_space<vmem>>, vector<16xf32>,
      tpu.vector_store %arg11[%swap3A_286], %div3A_204 {strides = array<i32>} : memref<256xf32, #tpu.memory_space<vmem>>, vector<16xf32>,
      %swap3A_288 = arith.constant 48 : index
      %swap3A_289 = tpu.vector_load %arg11[%swap3A_288] {strides = array<i32>} : memref<256xf32, #tpu.memory_space<vmem>>, vector<16xf32>,
      tpu.vector_store %arg11[%swap3A_288], %div3A_210 {strides = array<i32>} : memref<256xf32, #tpu.memory_space<vmem>>, vector<16xf32>,
      %swap3A_290 = arith.constant 64 : index
      %swap3A_291 = tpu.vector_load %arg11[%swap3A_290] {strides = array<i32>} : memref<256xf32, #tpu.memory_space<vmem>>, vector<16xf32>,
      tpu.vector_store %arg11[%swap3A_290], %div3A_216 {strides = array<i32>} : memref<256xf32, #tpu.memory_space<vmem>>, vector<16xf32>,
      %swap3A_292 = arith.constant 80 : index
      %swap3A_293 = tpu.vector_load %arg11[%swap3A_292] {strides = array<i32>} : memref<256xf32, #tpu.memory_space<vmem>>, vector<16xf32>,
      tpu.vector_store %arg11[%swap3A_292], %div3A_222 {strides = array<i32>} : memref<256xf32, #tpu.memory_space<vmem>>, vector<16xf32>,
      %swap3A_294 = arith.constant 96 : index
      %swap3A_295 = tpu.vector_load %arg11[%swap3A_294] {strides = array<i32>} : memref<256xf32, #tpu.memory_space<vmem>>, vector<16xf32>,
      tpu.vector_store %arg11[%swap3A_294], %div3A_228 {strides = array<i32>} : memref<256xf32, #tpu.memory_space<vmem>>, vector<16xf32>,
      %swap3A_296 = arith.constant 112 : index
      %swap3A_297 = tpu.vector_load %arg11[%swap3A_296] {strides = array<i32>} : memref<256xf32, #tpu.memory_space<vmem>>, vector<16xf32>,
      tpu.vector_store %arg11[%swap3A_296], %div3A_234 {strides = array<i32>} : memref<256xf32, #tpu.memory_space<vmem>>, vector<16xf32>,
      %swap3A_298 = arith.constant 128 : index
      %swap3A_299 = tpu.vector_load %arg11[%swap3A_298] {strides = array<i32>} : memref<256xf32, #tpu.memory_space<vmem>>, vector<16xf32>,
      tpu.vector_store %arg11[%swap3A_298], %div3A_240 {strides = array<i32>} : memref<256xf32, #tpu.memory_space<vmem>>, vector<16xf32>,
      %swap3A_300 = arith.constant 144 : index
      %swap3A_301 = tpu.vector_load %arg11[%swap3A_300] {strides = array<i32>} : memref<256xf32, #tpu.memory_space<vmem>>, vector<16xf32>,
      tpu.vector_store %arg11[%swap3A_300], %div3A_246 {strides = array<i32>} : memref<256xf32, #tpu.memory_space<vmem>>, vector<16xf32>,
      %swap3A_302 = arith.constant 160 : index
      %swap3A_303 = tpu.vector_load %arg11[%swap3A_302] {strides = array<i32>} : memref<256xf32, #tpu.memory_space<vmem>>, vector<16xf32>,
      tpu.vector_store %arg11[%swap3A_302], %div3A_252 {strides = array<i32>} : memref<256xf32, #tpu.memory_space<vmem>>, vector<16xf32>,
      %swap3A_304 = arith.constant 176 : index
      %swap3A_305 = tpu.vector_load %arg11[%swap3A_304] {strides = array<i32>} : memref<256xf32, #tpu.memory_space<vmem>>, vector<16xf32>,
      tpu.vector_store %arg11[%swap3A_304], %div3A_258 {strides = array<i32>} : memref<256xf32, #tpu.memory_space<vmem>>, vector<16xf32>,
      %swap3A_306 = arith.constant 192 : index
      %swap3A_307 = tpu.vector_load %arg11[%swap3A_306] {strides = array<i32>} : memref<256xf32, #tpu.memory_space<vmem>>, vector<16xf32>,
      tpu.vector_store %arg11[%swap3A_306], %div3A_264 {strides = array<i32>} : memref<256xf32, #tpu.memory_space<vmem>>, vector<16xf32>,
      %swap3A_308 = arith.constant 208 : index
      %swap3A_309 = tpu.vector_load %arg11[%swap3A_308] {strides = array<i32>} : memref<256xf32, #tpu.memory_space<vmem>>, vector<16xf32>,
      tpu.vector_store %arg11[%swap3A_308], %div3A_270 {strides = array<i32>} : memref<256xf32, #tpu.memory_space<vmem>>, vector<16xf32>,
      %swap3A_310 = arith.constant 224 : index
      %swap3A_311 = tpu.vector_load %arg11[%swap3A_310] {strides = array<i32>} : memref<256xf32, #tpu.memory_space<vmem>>, vector<16xf32>,
      tpu.vector_store %arg11[%swap3A_310], %div3A_276 {strides = array<i32>} : memref<256xf32, #tpu.memory_space<vmem>>, vector<16xf32>,
      %swap3A_312 = arith.constant 240 : index
      %swap3A_313 = tpu.vector_load %arg11[%swap3A_312] {strides = array<i32>} : memref<256xf32, #tpu.memory_space<vmem>>, vector<16xf32>,
      tpu.vector_store %arg11[%swap3A_312], %div3A_282 {strides = array<i32>} : memref<256xf32, #tpu.memory_space<vmem>>, vector<16xf32>,
      "tpu.region"() ({
        %run_scoped3A_314 = tpu.sem_alloc : memref<!tpu.dma_semaphore, #tpu.memory_space<semaphore_mem>>
        %dma_start3A = tpu.memref_slice %arg4[%mul3A_20] : memref<640000xf32, #tpu.memory_space<hbm>> -> memref<256xf32, #tpu.memory_space<hbm>>
        %dma_start3A_315 = tpu.memref_slice %arg4[%mul3A_20] : memref<640000xf32, #tpu.memory_space<hbm>> -> memref<256xf32, #tpu.memory_space<hbm>>
        tpu.enqueue_dma source(%arg11 : memref<256xf32, #tpu.memory_space<vmem>>) target(%dma_start3A_315 : memref<256xf32, #tpu.memory_space<hbm>>) target_semaphore(%run_scoped3A_314 : memref<!tpu.dma_semaphore, #tpu.memory_space<semaphore_mem>>)
        %dma_wait3A = tpu.memref_slice %arg4[%mul3A_20] : memref<640000xf32, #tpu.memory_space<hbm>> -> memref<256xf32, #tpu.memory_space<hbm>>
        %dma_wait3A_316 = tpu.memref_slice %arg4[%mul3A_20] : memref<640000xf32, #tpu.memory_space<hbm>> -> memref<256xf32, #tpu.memory_space<hbm>>
        tpu.wait_dma2 semaphore(%run_scoped3A_314 : memref<!tpu.dma_semaphore, #tpu.memory_space<semaphore_mem>>) src(%arg11 : memref<256xf32, #tpu.memory_space<vmem>>) dst(%dma_wait3A_316 : memref<256xf32, #tpu.memory_space<hbm>>)
        tpu.yield
      }) : () -> ()
    } else {
    }
    return
  }
}

module attributes {stable_mosaic.version = 14 : i64} {
  func.func @_proj_body(%arg0: memref<10000x128xf32, #tpu.memory_space<vmem>>, %arg1: memref<128x4xf32, #tpu.memory_space<vmem>>, %arg2: memref<4x1xf32, #tpu.memory_space<vmem>>, %arg3: memref<4x10000xf32, #tpu.memory_space<vmem>>) attributes {dimension_semantics = [], scalar_prefetch = 0 : i64, scratch_operands = 0 : i64, tpu.core_type = #tpu.core_type<tc>} {
    %get3A = arith.constant 0 : index
    %get3A_0 = arith.constant 0 : index
    %get3A_1 = vector.load %arg1[%get3A, %get3A_0] : memref<128x4xf32, #tpu.memory_space<vmem>>, vector<128x4xf32>
    %get3A_2 = arith.constant 0 : index
    %get3A_3 = arith.constant 0 : index
    %get3A_4 = vector.load %arg0[%get3A_2, %get3A_3] : memref<10000x128xf32, #tpu.memory_space<vmem>>, vector<10000x128xf32>
    %dot_general3A = arith.constant dense<0.000000e+00> : vector<4x10000xf32>
    %dot_general3A_5 = tpu.matmul %get3A_1, %get3A_4, %dot_general3A {dimension_numbers = #tpu.dot_dimension_numbers<[0], [1], [1], [0], [0, 1, 1, 0], [], []>, transpose_lhs_hint = false} : vector<128x4xf32>, vector<10000x128xf32>, vector<4x10000xf32> -> vector<4x10000xf32>
    %get3A_6 = arith.constant 0 : index
    %get3A_7 = arith.constant 0 : index
    %get3A_8 = vector.load %arg2[%get3A_6, %get3A_7] : memref<4x1xf32, #tpu.memory_space<vmem>>, vector<4x1xf32>
    %add3A = vector.broadcast %get3A_8 : vector<4x1xf32> to vector<4x10000xf32>
    %add3A_9 = arith.addf %dot_general3A_5, %add3A : vector<4x10000xf32>
    %swap3A = arith.constant 0 : index
    %swap3A_10 = arith.constant 0 : index
    %swap3A_11 = vector.load %arg3[%swap3A, %swap3A_10] : memref<4x10000xf32, #tpu.memory_space<vmem>>, vector<4x10000xf32>
    tpu.vector_store %arg3[%swap3A, %swap3A_10], %add3A_9 {strides = array<i32>} : memref<4x10000xf32, #tpu.memory_space<vmem>>, vector<4x10000xf32>,
    return
  }
}

</mosaic_0001>

<sc_bundles>
// kernel: kernel.4.cloned.1.call-start
scs
__scs_entry_jumppad:
0x0: {  	(pc) =	sbr.rel $0x88, $3  }
0x1: {  	(tag) =	ssettag $0x0;
	lr =	simm.s32 $0x1  }
0x2: {  	[smem:$0x3F9D] =	sst lr;
	_ =	strace $0xD0000000  }
0x3: {  	_ = 	snop  }
0x4: {  	_ = 	snop  }
0x5: {  	_ = 	snop  }
0x6: {  	_ = 	snop  }
0x7: {  	_ = 	snop  }
__scs_overlays_trampoline_lowered:
0x8: {  	[smem:$0x3FAC] =	sst s0  }
0x9: {  	[smem:$0x3FAD] =	sst s1  }
0xa: {  	[smem:$0x3FAE] =	sst s2  }
0xb: {  	[smem:$0x3FAF] =	sst s3  }
0xc: {  	[smem:$0x3FB0] =	sst s4  }
0xd: {  	[smem:$0x3FB1] =	sst s5  }
0xe: {  	[smem:$0x3FB2] =	sst s6  }
0xf: {  	[smem:$0x3FB3] =	sst s7  }
0x10: {  	[smem:$0x3FB4] =	sst s8  }
0x11: {  	[smem:$0x3FB5] =	sst s9;
	s0 =	simm.s32 @!p0 $0x0  }
0x12: {  	s1 =	sld [smem:$0x3F9B];
	s0 =	simm.s32 @p0 $0x1  }
0x13: {  	[smem:$0x3FB6] =	sst s0;
	s0 =	simm.s32 @!p1 $0x0  }
0x14: {  	s2 =	sld [smem:$0x3F9A];
	s0 =	simm.s32 @p1 $0x1  }
0x15: {  	[smem:$0x3FB7] =	sst s0;
	s0 =	simm.s32 @!p2 $0x0  }
0x16: {  	s3 =	sld [smem:$0x3FDB];
	s0 =	simm.s32 @p2 $0x1  }
0x17: {  	s4 =	simm.s32 $0x1BF5;
	[smem:$0x3FB9] =	sst s0  }
0x18: {  	s0 =	sld [smem:$0x3F9C];
	_ =	swait.ge [sflag:s4], $0x0  }
0x19: {  	s7 =	sld [smem:$0x3F9D]  }
0x1a: {  	s8 =	sadd.s32 $0xFFFFE003, lr  }
0x1b: {  	s9 =	sadd.s32 $0xFFFFFEF7, lr;
	s5 =	simm.s32 $0xFFFFFFFF;
	p2 =	slt.u32 s8, $0xFFFFF086  }
0x1c: {  	p1 =	slt.u32 s9, $0xF7A;
	s5 =	simm.s32 @!p2 $0x0  }
0x1d: {  	s5 =	simm.s32 @p1 $0x1;
	p0 =	seq.s32 s7, s2  }
0x1e: {  	s7 =	smul.u32 @!p0 $0xF7A, s2;
	p2 =	seq.s32 @!p0 s5, $0x0  }
0x1f: {  	s9 =	smul.u32 $0xF7A, s1;
	s8 =	simm.s32 @!p0 $0x1BF5;
	p2 =	por !p2, p0  }
0x20: {  	[sflag:s8] =	ssyncset.s32 @!p0 $0xFFFFF086;
	s6 =	sadd.s32 @!p0 s3, s7;
	s7 =	simm.s32 @!p0 $0x108  }
0x21: {  	s3 =	sadd.s32 s3, s9;
	s6 =	sadd.s32 @!p0 $0x88, s6;
	s7 =	simm.s32 @p2 $0x1082  }
0x22: {  	[simem:s7], [sflag:s8] =	dma.local @!p0 [hbm:s6], $0xF7A  }
0x23: {  	s9 =	sor.u32 $0xD0000000, s2;
	s6 =	simm.s32 $0x108;
	_ =	swait.ge @!p0 [sflag:s8], $0x0  }
0x24: {  	s3 =	sadd.s32 $0x88, s3;
	s6 =	simm.s32 @!p1 $0x1082;
	[sflag:s4] =	ssyncset.s32 $0xFFFFF086  }
0x25: {  	[simem:s6], [sflag:s4] =	dma.local [hbm:s3], $0xF7A  }
0x26: {  	[smem:$0x3F9D] =	sst s1;
	(tag) =	ssettag s2;
	_ =	strace s9  }
0x27: {  	s1 =	sld [smem:$0x3FAD]  }
0x28: {  	s2 =	sld [smem:$0x3FAE]  }
0x29: {  	s4 =	sld [smem:$0x3FB0]  }
0x2a: {  	p0 =	seq.s32 s5, $0x0;
	s5 =	sld [smem:$0x3FB1]  }
0x2b: {  	s6 =	sld [smem:$0x3FB2]  }
0x2c: {  	s7 =	sld [smem:$0x3FB3]  }
0x2d: {  	s3 =	simm.s32 $0x108;
	s8 =	sld [smem:$0x3FB4]  }
0x2e: {  	s3 =	simm.s32 @!p0 $0x1082;
	s9 =	sld [smem:$0x3FB5]  }
0x2f: {  	lr =	sadd.s32 s0, s3;
	s0 =	sld [smem:$0x3FAC]  }
0x30: {  	s3 =	sld [smem:$0x3FAF]  }
0x31: {  	[smem:$0x3FB8] =	sst s10  }
0x32: {  	s10 =	sld [smem:$0x3FB6];
	_ =	sdelay $0x3  }
0x33: {  	p0 =	seq.s32 s10, $0x1;
	s10 =	sld [smem:$0x3FB8];
	_ =	sdelay $0x3  }
0x34: {  	[smem:$0x3FB8] =	sst s10  }
0x35: {  	s10 =	sld [smem:$0x3FB7];
	_ =	sdelay $0x3  }
0x36: {  	p1 =	seq.s32 s10, $0x1;
	s10 =	sld [smem:$0x3FB8];
	_ =	sdelay $0x3  }
0x37: {  	[smem:$0x3FB8] =	sst s10  }
0x38: {  	s10 =	sld [smem:$0x3FB9]  }
0x39: {  	_ = 	snop;
	(pc) =	sbr.ind lr, $3  }
0x3a: {  	_ = 	snop  }
0x3b: {  	_ = 	snop  }
0x3c: {  	p2 =	seq.s32 s10, $0x1;
	s10 =	sld [smem:$0x3FB8]  }
0x3d: {  	_ =	shalt  }
0x3e: {  	_ =	shalt  }
0x3f: {  	_ =	shalt  }
0x40: {  	_ =	shalt  }
0x41: {  	_ =	shalt  }
0x42: {  	_ =	shalt  }
0x43: {  	_ =	shalt  }
0x44: {  	_ =	shalt  }
0x45: {  	_ =	shalt  }
0x46: {  	_ =	shalt  }
0x47: {  	_ =	shalt  }
0x48: {  	_ =	shalt  }
0x49: {  	_ =	shalt  }
0x4a: {  	_ =	shalt  }
0x4b: {  	_ =	shalt  }
0x4c: {  	_ =	shalt  }
0x4d: {  	_ =	shalt  }
0x4e: {  	_ =	shalt  }
0x4f: {  	_ =	shalt  }
0x50: {  	_ =	shalt  }
0x51: {  	_ =	shalt  }
0x52: {  	_ =	shalt  }
0x53: {  	_ =	shalt  }
0x54: {  	_ =	shalt  }
0x55: {  	_ =	shalt  }
0x56: {  	_ =	shalt  }
0x57: {  	_ =	shalt  }
0x58: {  	_ =	shalt  }
0x59: {  	_ =	shalt  }
0x5a: {  	_ =	shalt  }
0x5b: {  	_ =	shalt  }
0x5c: {  	_ =	shalt  }
0x5d: {  	_ =	shalt  }
0x5e: {  	_ =	shalt  }
0x5f: {  	_ =	shalt  }
0x60: {  	_ =	shalt  }
0x61: {  	_ =	shalt  }
0x62: {  	_ =	shalt  }
0x63: {  	_ =	shalt  }
0x64: {  	_ =	shalt  }
0x65: {  	_ =	shalt  }
0x66: {  	_ =	shalt  }
0x67: {  	_ =	shalt  }
0x68: {  	_ =	shalt  }
0x69: {  	_ =	shalt  }
0x6a: {  	_ =	shalt  }
0x6b: {  	_ =	shalt  }
0x6c: {  	_ =	shalt  }
0x6d: {  	_ =	shalt  }
0x6e: {  	_ =	shalt  }
0x6f: {  	_ =	shalt  }
0x70: {  	_ =	shalt  }
0x71: {  	_ =	shalt  }
0x72: {  	_ =	shalt  }
0x73: {  	_ =	shalt  }
0x74: {  	_ =	shalt  }
0x75: {  	_ =	shalt  }
0x76: {  	_ =	shalt  }
0x77: {  	_ =	shalt  }
0x78: {  	_ =	shalt  }
0x79: {  	_ =	shalt  }
0x7a: {  	_ =	shalt  }
0x7b: {  	_ =	shalt  }
0x7c: {  	_ =	shalt  }
0x7d: {  	_ =	shalt  }
0x7e: {  	_ =	shalt  }
0x7f: {  	_ =	shalt  }
0x80: {  	_ =	shalt  }
0x81: {  	_ =	shalt  }
0x82: {  	_ =	shalt  }
0x83: {  	_ =	shalt  }
0x84: {  	_ =	shalt  }
0x85: {  	_ =	shalt  }
0x86: {  	_ =	shalt  }
0x87: {  	_ =	shalt  }
.Lfunc_end0:
.L_simem_size_0:
called_computation_lowered:
.L_overlay_start_0:
0x88: {  	s2 =	sld [smem:$0x3FD9]  }
0x89: {  	s3 =	sld [smem:$0x3FFE];
	_ =	sdelay $0x1  }
0x8a: {  	s1 =	srdreg.scid  }
0x8b: {  	s0 =	sand.u32 $0x1, s1  }
0x8c: {  	s17 =	sshll.u32 s0, $0xA;
	s2 =	sadd.s32 s3, s2  }
0x8d: {  	s2 =	sadd.s32 s2, s17  }
0x8e: {  	[smem:$0x3FC4] =	sst s2  }
0x8f: {  	_ = 	snop  }
0x90: {  	s2 =	sld [smem:$0x3FC8]  }
0x91: {  	s18 =	sld [smem:$0x3FD0];
	(tm) =	ssettm $0x1  }
0x92: {  	s4 =	sld [smem:$0x3FFB];
	_ =	sdelay $0x3  }
0x93: {  	_ =	strace s4  }
0x94: {  	s4 =	sld [smem:$0x3FFC];
	_ =	sdelay $0x3  }
0x95: {  	_ =	strace s4  }
0x96: {  	s4 =	sld [smem:$0x3FFD];
	_ =	sdelay $0x3  }
0x97: {  	_ =	strace s4  }
0x98: {  	_ =	strace $0x8FFFFFFF  }
0x99: {  	s19 =	sld [smem:$0x3FDB];
	_ =	sdelay $0x1  }
0x9a: {  	s5 =	simm.s32 $_scs_section_size  }
0x9b: {  	s6 =	simm.s32 $_size__tile_overlayer_lowered;
	s7 =	simm.s32 $_tile_overlayer_lowered  }
0x9c: {  	s22 =	simm.s32 $0x1BFF;
	s21 =	sshll.u32 s7, $0x1;
	s4 =	sadd.s32 s5, s19  }
0x9d: {  	s8 =	simm.s32 $0x0;
	s20 =	sshll.u32 s6, $0x1;
	s6 =	sadd.s32 s21, s4  }
0x9e: {  	[timem:s8], [sflag:s22] =	dma.local [hbm:s6], s20  }
0x9f: {  	_ =	swait.ge [sflag:s22], s20  }
0xa0: {  	s5 =	ssub.s32 $0x0, s20;
	[sflag:s22] =	ssyncset.done $0x0  }
0xa1: {  	[sflag:s22] =	ssyncadd.s32 s5;
	_ =	sdelay $0x1  }
0xa2: {  	s23 =	simm.s32 $0x1B8B  }
0xa3: {  	_ =	swait.ge [sflag:s23], $0x1  }
0xa4: {  	[sflag:s23] =	ssyncset.done $0x0  }
0xa5: {  	s25 =	simm.s32 $0x1B8E;
	s24 =	sld [smem:$0x3FFE];
	[sflag:s23] =	ssyncadd.s32 $0xFFFFFFFF  }
0xa6: {  	s26 =	simm.s32 $execute0_lowered;
	[smem:$0x3FD2] =	sst s25  }
0xa7: {  	s6 =	sshll.u32 s26, $0x1;
	_ =	strace $0x80000046;
	[dreg:$0x1] =	wrdreg $0xFFFFFFFF  }
0xa8: {  	s28 =	simm.s32 $_size_execute0_lowered;
	s4 =	sadd.s32 s4, s6;
	[dreg:$0x0] =	wrdreg $0x0  }
0xa9: {  	s6 =	sshll.u32 s28, $0x1;
	[dreg:$0x2] =	wrdreg s4  }
0xaa: {  	[dreg:$0x3] =	wrdreg s6  }
0xab: {  	[dreg:$0x4] =	wrdreg $0xC0  }
0xac: {  	_ =	task [dreg:s8], $0x5FFFF  }
0xad: {  	[dreg:$0x1] =	wrdreg $0xFFFFFFFF  }
0xae: {  	[dreg:$0x0] =	wrdreg $0x60  }
0xaf: {  	[dreg:$0x2] =	wrdreg s24  }
0xb0: {  	[dreg:$0x3] =	wrdreg s2  }
0xb1: {  	[dreg:$0x4] =	wrdreg s18  }
0xb2: {  	[dreg:$0x5] =	wrdreg $0x9  }
0xb3: {  	_ =	task.clear_ibuf [dreg:s8], $0x6FFFF;
	_ =	strace $0x90000046  }
0xb4: {  	s29 =	simm.s32 $0x9;
	_ =	strace $0x80000048  }
0xb5: {  	_ =	swait.ge [sflag:s29], $0x1  }
0xb6: {  	[sflag:s29] =	ssyncadd.s32 $0xFFFFFFFF  }
0xb7: {  	_ =	strace $0x90000048  }
0xb8: {  	_ =	sfence  }
0xb9: {  	s30 =	sld [smem:$0x0];
	_ =	sdelay $0x2  }
0xba: {  	s31 =	sshll.u32 s1, $0xD;
	s1 =	sshrl.u32 s1, $0x2  }
0xbb: {  	s3 =	sand.u32 $0x4000, s31;
	s1 =	sadd.s32 s1, s30  }
0xbc: {  	s0 =	sor.u32 s3, s0;
	s1 =	sshll.u32 s1, $0x11  }
0xbd: {  	s0 =	sor.u32 s1, s0  }
0xbe: {  	s0 =	sadd.s32 $0x8F2B, s0  }
0xbf: {  	[sflag:s0] =	ssyncadd.remote.s32 $0x1  }
0xc0: {  	_ =	sfence.sel $0xFFFF  }
0xc1: {  	[dreg:$0x0] =	wrdreg $0xFFFFFFFF;
	(pc) =	sbr.abs _section_cstart, $3  }
0xc2: {  	[dreg:$0x1] =	wrdreg $0xFFFFFFFF  }
0xc3: {  	_ =	task.clear_ibuf [dreg:s8], $0x2FFFF;
	_ =	strace $0x9FFFFFFF  }
0xc4: {  	(tm) =	ssettm $0x7FFFFFFF  }
0xc5: {  	_ =	shalt  }
tec
execute0_lowered:
.L_overlay_start_1:
0x0: {  	(tag) =	ssettag $0x1  }
0x1: {  	s3 =	rddreg [dreg:$0x0]  }
0x2: {  	s7 =	rddreg [dreg:$0x1];
	s1 =	srdreg.scid  }
0x3: {  	s0 =	stileid.u32;
	s9 =	rddreg [dreg:$0x2];
	s2 =	simm.s32 $0x0  }
0x4: {  	s13 =	simm.s32 $0x100;
	s14 =	simm.s32 $0x9C80;
	s15 =	simm.s32 $0xC380  }
0x5: {  	s16 =	simm.s32 $0xEA80;
	s17 =	simm.s32 $0x13880;
	s18 =	simm.s32 $0x13900  }
0x6: {  	s19 =	simm.s32 $0x13980;
	s4 =	sand.u32 $0x1, s1;
	s1 =	rddreg [dreg:$0x3]  }
0x7: {  	s20 =	simm.s32 $0x0;
	s5 =	sshll.u32 s0, $0x1;
	[smem:$0x7FF] =	sst s2  }
0x8: {  	s3 =	sadd.s32 $0x800, s3;
	p0 =	sgt.u32 s0, $0x1;
	s6 =	sor.u32 s4, s5  }
0x9: {  	_ =	strace $0x80000047;
	s30 =	ssub.s32 $0x2, s4;
	s8 =	smul.u32 $0x9C0, s6  }
.Ltmp0:
0xa: {  	s10 =	sshrl.u32 s30, $0x1;
	s11 =	sshll.u32 s6, $0x5;
	(pc) =	sbr.rel .LBB2_1-.Ltmp0, $4  }
0xb: {  	s10 =	ssub.s32 s30, s10;
	s12 =	sor.u32 $0x13800, s11;
	s31 =	sadd.s32 s11, s7  }
0xc: {  	s11 =	simm.s32 $0x1;
	s4 =	sadd.s32 s7, s8;
	s6 =	sadd.s32 s9, s8  }
0xd: {  	s7 =	sadd.s32 s7, s12;
	s8 =	sadd.s32 $0x13810, s31;
	s9 =	sadd.s32 s9, s12  }
0xe: {  	s10 =	smax.u32 s10, $0x1;
	s12 =	simm.s32 $0x80;
	s5 =	sadd.s32 $0x10, s4  }
.LBB2_5:
0xf: {  	s20 =	sadd.s32 $0x1, s20  }
0x10: {  	p1 =	sne.s32 s20, s10  }
.Ltmp1:
0x11: {  	_ = 	snop;
	(pc) =	sbr.rel @!p1 .LBB2_6-.Ltmp1, $1  }
0x12: {  	_ =	sdelay $0x3  }
.LBB2_1:
0x13: {  	[tilespmem:s2], [sflag:$0x1] =	stream.linear.gather [hbm4b:s3+s2], $0x9C80, $0x38;
	[tilespmem:$0x13A80] =	vst v63  }
0x14: {  	_ =	swait.ge [sflag:s11], $0x9C80  }
0x15: {  	[sflag:s11] =	ssyncset.done $0x0  }
0x16: {  	[sflag:s11] =	ssyncadd.s32 $0xFFFF6380  }
0x17: {  	[tilespmem:s14], [sflag:$0x1] =	stream.strided.gather [hbm4b:s4+s12], $0x2700, s13, s12, $0x38;
	[tilespmem:$0x13A80] =	vst v63  }
0x18: {  	_ =	swait.ge [sflag:s11], $0x2700  }
0x19: {  	[sflag:s11] =	ssyncset.done $0x0  }
0x1a: {  	[sflag:s11] =	ssyncadd.s32 $0xFFFFD900  }
0x1b: {  	[tilespmem:s15], [sflag:$0x1] =	stream.strided.gather [hbm4b:s5+s12], $0x2700, s13, s12, $0x38;
	[tilespmem:$0x13A80] =	vst v63  }
0x1c: {  	_ =	swait.ge [sflag:s11], $0x2700  }
0x1d: {  	[sflag:s11] =	ssyncset.done $0x0  }
0x1e: {  	s21 =	simm.s32 $0x0;
	[sflag:s11] =	ssyncadd.s32 $0xFFFFD900  }
0x1f: {  	v3 =	vld [tilespmem:s21+$0xC3F0]  }
0x20: {  	v0 =	vld [tilespmem:s21+$0xC3A0]  }
0x21: {  	v1 =	vld [tilespmem:s21+$0x9CC0]  }
0x22: {  	v2 =	vld [tilespmem:s21+$0xC390]  }
0x23: {  	v4 =	vld [tilespmem:s21+$0xC3C0]  }
0x24: {  	v5 =	vld [tilespmem:s21+$0x9CA0]  }
0x25: {  	v6 =	vld [tilespmem:s21+$0x9C90]  }
0x26: {  	v8 =	vld [tilespmem:s21+$0x9C80]  }
0x27: {  	v10 =	vld [tilespmem:s21+$0x9CE0]  }
0x28: {  	v13 =	vld [tilespmem:s21+$0x9CD0]  }
0x29: {  	v17 =	vld [tilespmem:s21+$0x9CF0]  }
0x2a: {  	v14 =	vld [tilespmem:s21+$0xC3E0];
	v7 =	vadd.s32 $0x4E20, v3  }
0x2b: {  	v16 =	vld [tilespmem:s21+$0xC3B0]  }
0x2c: {  	v20 =	vld [tilespmem:s21+$0xC3D0]  }
0x2d: {  	v9 =	vadd.s32 $0x2710, v1;
	v12 =	vld.idx.msk [tilespmem:v1+s2+$0x0], $0xffff  }
0x2e: {  	v11 =	vadd.s32 $0x7530, v0;
	v18 =	vld.idx.msk [tilespmem:v5+s2+$0x0], $0xffff  }
0x2f: {  	v1 =	vld.idx.msk [tilespmem:v7+s2+$0x0], $0xffff;
	v7 =	vadd.s32 $0x4E20, v2  }
0x30: {  	v15 =	vadd.s32 $0x7530, v4;
	v23 =	vld.idx.msk [tilespmem:v6+s2+$0x0], $0xffff  }
0x31: {  	v4 =	vadd.s32 $0x4E20, v4;
	v26 =	vadd.s32 $0x2710, v17;
	v17 =	vld.idx.msk [tilespmem:v17+s2+$0x0], $0xffff  }
0x32: {  	v21 =	vadd.s32 $0x2710, v10;
	v9 =	vld.idx.msk [tilespmem:v9+s2+$0x0], $0xffff  }
0x33: {  	v22 =	vadd.s32 $0x7530, v14;
	v11 =	vld.idx.msk [tilespmem:v11+s2+$0x0], $0xffff  }
0x34: {  	v19 =	vld.idx.msk [tilespmem:v7+s2+$0x0], $0xffff;
	v7 =	vadd.s32 $0x4E20, v0  }
0x35: {  	v5 =	vadd.s32 $0x2710, v5;
	v15 =	vld.idx.msk [tilespmem:v15+s2+$0x0], $0xffff  }
0x36: {  	v24 =	vld.idx.msk [tilespmem:v4+s2+$0x0], $0xffff  }
0x37: {  	v21 =	vld.idx.msk [tilespmem:v21+s2+$0x0], $0xffff  }
0x38: {  	v14 =	vadd.s32 $0x4E20, v14;
	v22 =	vld.idx.msk [tilespmem:v22+s2+$0x0], $0xffff  }
0x39: {  	v25 =	vld.idx.msk [tilespmem:v7+s2+$0x0], $0xffff  }
0x3a: {  	v5 =	vld.idx.msk [tilespmem:v5+s2+$0x0], $0xffff  }
0x3b: {  	v9 =	vadd.f32 v15, v9;
	v7 =	vadd.s32 $0x7530, v2;
	v2 =	vld.idx.msk [tilespmem:v10+s2+$0x0], $0xffff;
	v10 =	vadd.s32 $0x7530, v3  }
0x3c: {  	v4 =	vadd.s32 $0x2710, v8;
	v0 =	vld.idx.msk [tilespmem:v8+s2+$0x0], $0xffff;
	v15 =	vadd.f32 v24, v12;
	v8 =	vadd.f32 v19, v23  }
0x3d: {  	v27 =	vadd.s32 $0x2710, v6;
	v63 =	vadd.s32 $0x2710, v13;
	v6 =	vld.idx.msk [tilespmem:v14+s2+$0x0], $0xffff;
	v9 =	vmul.f32 $1.442695020e+00, v9  }
0x3e: {  	v24 =	vmul.f32 $1.442695020e+00, v15;
	v19 =	vld [tilespmem:s21+$0xC380];
	v8 =	vmul.f32 $1.442695020e+00, v8;
	v18 =	vadd.f32 v25, v18  }
0x3f: {  	v12 =	vld [tilespmem:s21+$0x9CB0];
	v5 =	vadd.f32 v11, v5;
	v11 =	vadd.s32 $0x7530, v16;
	(erf) = vpow2.f32 v9  }
0x40: {  	(erf) = vpow2.f32 v8;
	v15 =	vld.idx.msk [tilespmem:v10+s2+$0x0], $0xffff;
	v10 =	vadd.f32 v22, v21;
	v9 =	vmul.f32 $1.442695020e+00, v18  }
0x41: {  	v14 =	vld.idx.msk [tilespmem:v26+s2+$0x0], $0xffff;
	v3 =	vadd.s32 $0x4E20, v16;
	(erf) = vpow2.f32 v24;
	v18 =	vmul.f32 $1.442695020e+00, v5  }
0x42: {  	v8 =	vadd.s32 $0x4E20, v20;
	v5 =	vld.idx.msk [tilespmem:v13+s2+$0x0], $0xffff;
	v21 =	vmul.f32 $1.442695020e+00, v10;
	(erf) = vpow2.f32 v9  }
0x43: {  	v16 =	vadd.s32 $0x4E20, v19;
	v19 =	vadd.s32 $0x7530, v19;
	v13 =	vld.idx.msk [tilespmem:v27+s2+$0x0], $0xffff;
	(erf) = vpow2.f32 v18  }
0x44: {  	s22 =	simm.s32 $0xEB00;
	s23 =	simm.s32 $0x200;
	s21 =	simm.s32 $0xEB00;
	v10 =	vadd.s32 $0x7530, v20;
	v9 =	vld.idx.msk [tilespmem:v63+s2+$0x0], $0xffff;
	v18 =	vadd.s32 $0x2710, v12;
	(erf) = vpow2.f32 v21  }
.LBB2_2:
0x45: {  	p1 =	sne.s32 s23, $0x9A00  }
0x46: {  	v7 =	vld.idx.msk [tilespmem:v7+s2+$0x0], $0xffff;
	s22 =	sadd.s32 $0x100, s22;
	s24 =	smov.u32 s23;
	s23 =	sadd.s32 $0x200, s23  }
0x47: {  	v14 =	vadd.f32 v15, v14;
	v12 =	vld.idx.msk [tilespmem:v12+s2+$0x0], $0xffff  }
0x48: {  	v15 =	vld.idx.msk [tilespmem:v19+s2+$0x0], $0xffff;
	v19 =	vpop (erf)  }
0x49: {  	v14 =	vmul.f32 $1.442695020e+00, v14;
	v16 =	vld.idx.msk [tilespmem:v16+s2+$0x0], $0xffff;
	v19 =	vadd.f32 $1.000000000e+00, v19;
	v20 =	vpop (erf)  }
0x4a: {  	v18 =	vld.idx.msk [tilespmem:v18+s2+$0x0], $0xffff;
	v20 =	vadd.f32 $1.000000000e+00, v20;
	v21 =	vpop (erf)  }
0x4b: {  	v1 =	vadd.f32 v1, v17;
	v4 =	vld.idx.msk [tilespmem:v4+s2+$0x0], $0xffff;
	v17 =	vadd.f32 $1.000000000e+00, v21;
	v21 =	vpop (erf);
	(erf) = vpow2.f32 v14  }
0x4c: {  	v11 =	vld.idx.msk [tilespmem:v11+s2+$0x0], $0xffff;
	v14 =	vadd.f32 $1.000000000e+00, v21;
	v21 =	vpop (erf);
	(erf) = vrcp.f32 v20  }
0x4d: {  	v1 =	vmul.f32 $1.442695020e+00, v1;
	v3 =	vld.idx.msk [tilespmem:v3+s2+$0x0], $0xffff;
	v20 =	vadd.f32 $1.000000000e+00, v21;
	(erf) = vrcp.f32 v17  }
0x4e: {  	v7 =	vadd.f32 v7, v13;
	v10 =	vld.idx.msk [tilespmem:v10+s2+$0x0], $0xffff;
	v13 =	vpop (erf);
	(erf) = vrcp.f32 v14  }
0x4f: {  	v0 =	vadd.f32 v16, v0;
	v8 =	vld.idx.msk [tilespmem:v8+s2+$0x0], $0xffff;
	v13 =	vadd.f32 $1.000000000e+00, v13;
	(erf) = vpow2.f32 v1  }
0x50: {  	v1 =	vadd.f32 v6, v2;
	v2 =	vmul.f32 $1.442695020e+00, v7;
	(erf) = vrcp.f32 v20  }
0x51: {  	v4 =	vadd.f32 v15, v4;
	v0 =	vmul.f32 $1.442695020e+00, v0;
	(erf) = vrcp.f32 v13  }
0x52: {  	v6 =	vadd.f32 v11, v18;
	v7 =	vmul.f32 $1.442695020e+00, v1;
	(erf) = vpow2.f32 v2  }
0x53: {  	v2 =	vadd.f32 v3, v12;
	v11 =	vmul.f32 $1.442695020e+00, v4;
	(erf) = vpow2.f32 v0  }
0x54: {  	v0 =	vadd.f32 v10, v9;
	v4 =	vmul.f32 $1.442695020e+00, v6;
	(erf) = vpow2.f32 v7;
	v1 =	vpop (erf)  }
0x55: {  	v5 =	vadd.f32 v8, v5;
	v1 =	vadd.f32 $1.000000000e+00, v1;
	(erf) = vpow2.f32 v11;
	v3 =	vpop (erf)  }
0x56: {  	v0 =	vmul.f32 $1.442695020e+00, v0;
	[tilespmem:s21+$0xFFFFFF90] =	vst v3;
	(erf) = vpow2.f32 v4;
	v3 =	vpop (erf)  }
0x57: {  	v4 =	vmul.f32 $1.442695020e+00, v5;
	[tilespmem:s21+$0xFFFFFFC0] =	vst v3;
	v3 =	vpop (erf);
	(erf) = vrcp.f32 v1  }
0x58: {  	v5 =	vmul.f32 $1.442695020e+00, v2;
	[tilespmem:s21+$0xFFFFFFA0] =	vst v3;
	v2 =	vpop (erf);
	(erf) = vpow2.f32 v0  }
0x59: {  	v0 =	vadd.f32 $1.000000000e+00, v2;
	(erf) = vpow2.f32 v4;
	v2 =	vpop (erf)  }
0x5a: {  	[tilespmem:s21+$0x20] =	vst v2;
	(erf) = vpow2.f32 v5;
	v1 =	vpop (erf)  }
0x5b: {  	[tilespmem:s21+$0x60] =	vst v1;
	v1 =	vpop (erf);
	(erf) = vrcp.f32 v0  }
0x5c: {  	v0 =	vadd.f32 $1.000000000e+00, v1;
	v1 =	vpop (erf);
	(erf) = vrcp.f32 v19  }
0x5d: {  	v1 =	vadd.f32 $1.000000000e+00, v1;
	v2 =	vpop (erf)  }
0x5e: {  	v4 =	vadd.f32 $1.000000000e+00, v2;
	v3 =	vpop (erf);
	(erf) = vrcp.f32 v0  }
0x5f: {  	v0 =	vadd.f32 $1.000000000e+00, v3;
	v3 =	vpop (erf);
	(erf) = vrcp.f32 v1  }
0x60: {  	v1 =	vadd.f32 $1.000000000e+00, v3;
	(erf) = vrcp.f32 v4;
	v2 =	vpop (erf)  }
0x61: {  	[tilespmem:s21+$0x70] =	vst v2;
	v2 =	vpop (erf);
	(erf) = vrcp.f32 v0  }
0x62: {  	v4 =	vadd.f32 $1.000000000e+00, v2;
	v2 =	vpop (erf)  }
0x63: {  	v2 =	vadd.f32 $1.000000000e+00, v2;
	v3 =	vpop (erf);
	(erf) = vrcp.f32 v1  }
0x64: {  	v1 =	vadd.f32 $1.000000000e+00, v3;
	v3 =	vpop (erf);
	(erf) = vrcp.f32 v4  }
0x65: {  	[tilespmem:s21+$0xFFFFFFF0] =	vst v3;
	(erf) = vrcp.f32 v2;
	v0 =	vpop (erf)  }
0x66: {  	[tilespmem:s21+$0x40] =	vst v0;
	(erf) = vrcp.f32 v1  }
0x67: {  	v0 =	vpop (erf)  }
0x68: {  	[tilespmem:s21+$0x10] =	vst v0;
	v0 =	vpop (erf)  }
0x69: {  	[tilespmem:s21+$0xFFFFFF80] =	vst v0;
	v0 =	vpop (erf)  }
0x6a: {  	[tilespmem:s21+$0xFFFFFFE0] =	vst v0;
	v0 =	vpop (erf)  }
0x6b: {  	[tilespmem:s21+$0x0] =	vst v0  }
0x6c: {  	s24 =	sshra.s32 s24, $0x2;
	v0 =	vpop (erf)  }
0x6d: {  	[tilespmem:s21+$0x30] =	vst v0;
	v0 =	vpop (erf)  }
0x6e: {  	[tilespmem:s21+$0x50] =	vst v0;
	v0 =	vpop (erf)  }
0x6f: {  	[tilespmem:s21+$0xFFFFFFD0] =	vst v0;
	v0 =	vpop (erf)  }
0x70: {  	[tilespmem:s21+$0xFFFFFFB0] =	vst v0;
	s21 =	smov.u32 s22  }
0x71: {  	v5 =	vld [tilespmem:s24+$0xC3F0]  }
0x72: {  	v0 =	vld [tilespmem:s24+$0xC3A0]  }
0x73: {  	v1 =	vld [tilespmem:s24+$0x9CC0]  }
0x74: {  	v2 =	vld [tilespmem:s24+$0xC390]  }
0x75: {  	v3 =	vld [tilespmem:s24+$0xC3C0]  }
0x76: {  	v6 =	vld [tilespmem:s24+$0x9CA0]  }
0x77: {  	v4 =	vadd.s32 $0x4E20, v5;
	v8 =	vld [tilespmem:s24+$0x9C90];
	v9 =	vadd.s32 $0x4E20, v0;
	v0 =	vadd.s32 $0x7530, v0  }
0x78: {  	v10 =	vld [tilespmem:s24+$0x9C80];
	v11 =	vadd.s32 $0x2710, v1  }
0x79: {  	v12 =	vld [tilespmem:s24+$0x9CE0];
	v7 =	vadd.s32 $0x7530, v2  }
0x7a: {  	v13 =	vld [tilespmem:s24+$0x9CD0];
	v14 =	vadd.s32 $0x7530, v3  }
0x7b: {  	v15 =	vld.idx.msk [tilespmem:v1+s2+$0x0], $0xffff;
	v16 =	vadd.s32 $0x2710, v6  }
0x7c: {  	v17 =	vld [tilespmem:s24+$0x9CF0];
	v18 =	vadd.s32 $0x2710, v8  }
0x7d: {  	v1 =	vld.idx.msk [tilespmem:v4+s2+$0x0], $0xffff;
	v4 =	vadd.s32 $0x2710, v10  }
0x7e: {  	v2 =	vadd.s32 $0x4E20, v2;
	v19 =	vld.idx.msk [tilespmem:v11+s2+$0x0], $0xffff  }
0x7f: {  	v11 =	vld [tilespmem:s24+$0xC3E0]  }
0x80: {  	v20 =	vld.idx.msk [tilespmem:v0+s2+$0x0], $0xffff  }
0x81: {  	v21 =	vld [tilespmem:s24+$0xC3B0];
	v22 =	vadd.s32 $0x2710, v17  }
0x82: {  	v23 =	vld.idx.msk [tilespmem:v6+s2+$0x0], $0xffff;
	v6 =	vadd.s32 $0x4E20, v3  }
0x83: {  	v24 =	vld.idx.msk [tilespmem:v2+s2+$0x0], $0xffff  }
0x84: {  	v2 =	vld [tilespmem:s24+$0xC3D0]  }
0x85: {  	v25 =	vadd.s32 $0x4E20, v11;
	v26 =	vadd.s32 $0x7530, v11;
	v0 =	vld.idx.msk [tilespmem:v10+s2+$0x0], $0xffff  }
0x86: {  	v27 =	vadd.s32 $0x2710, v12;
	v3 =	vadd.s32 $0x4E20, v21;
	v11 =	vadd.s32 $0x7530, v21;
	v14 =	vld.idx.msk [tilespmem:v14+s2+$0x0], $0xffff  }
0x87: {  	v21 =	vld.idx.msk [tilespmem:v8+s2+$0x0], $0xffff  }
0x88: {  	v6 =	vld.idx.msk [tilespmem:v6+s2+$0x0], $0xffff  }
0x89: {  	v9 =	vld.idx.msk [tilespmem:v9+s2+$0x0], $0xffff;
	v8 =	vadd.s32 $0x4E20, v2;
	v10 =	vadd.s32 $0x7530, v2  }
0x8a: {  	v16 =	vld.idx.msk [tilespmem:v16+s2+$0x0], $0xffff  }
0x8b: {  	v27 =	vld.idx.msk [tilespmem:v27+s2+$0x0], $0xffff  }
0x8c: {  	v14 =	vadd.f32 v14, v19;
	v26 =	vld.idx.msk [tilespmem:v26+s2+$0x0], $0xffff  }
0x8d: {  	v5 =	vadd.s32 $0x7530, v5;
	v2 =	vld.idx.msk [tilespmem:v12+s2+$0x0], $0xffff;
	v12 =	vadd.f32 v24, v21  }
0x8e: {  	v15 =	vadd.f32 v6, v15;
	v14 =	vmul.f32 $1.442695020e+00, v14;
	v19 =	vld [tilespmem:s24+$0xC380]  }
0x8f: {  	v21 =	vadd.s32 $0x2710, v13;
	v9 =	vadd.f32 v9, v23;
	v6 =	vld.idx.msk [tilespmem:v25+s2+$0x0], $0xffff;
	v23 =	vmul.f32 $1.442695020e+00, v12  }
0x90: {  	v16 =	vadd.f32 v20, v16;
	v20 =	vmul.f32 $1.442695020e+00, v15;
	v12 =	vld [tilespmem:s24+$0x9CB0];
	(erf) = vpow2.f32 v14  }
0x91: {  	v9 =	vmul.f32 $1.442695020e+00, v9;
	v14 =	vld.idx.msk [tilespmem:v22+s2+$0x0], $0xffff;
	(erf) = vpow2.f32 v23  }
.Ltmp2:
0x92: {  	v22 =	vadd.f32 v26, v27;
	v23 =	vmul.f32 $1.442695020e+00, v16;
	v15 =	vld.idx.msk [tilespmem:v5+s2+$0x0], $0xffff;
	(erf) = vpow2.f32 v20;
	(pc) =	sbr.rel @p1 .LBB2_2-.Ltmp2, $4  }
0x93: {  	v5 =	vld.idx.msk [tilespmem:v13+s2+$0x0], $0xffff;
	v16 =	vadd.s32 $0x4E20, v19;
	v19 =	vadd.s32 $0x7530, v19;
	(erf) = vpow2.f32 v9  }
0x94: {  	v20 =	vmul.f32 $1.442695020e+00, v22;
	v9 =	vld.idx.msk [tilespmem:v21+s2+$0x0], $0xffff;
	(erf) = vpow2.f32 v23  }
0x95: {  	v13 =	vld.idx.msk [tilespmem:v18+s2+$0x0], $0xffff;
	v18 =	vadd.s32 $0x2710, v12  }
0x96: {  	v17 =	vld.idx.msk [tilespmem:v17+s2+$0x0], $0xffff;
	(erf) = vpow2.f32 v20  }
0x97: {  	_ =	sdelay $0x2  }
0x98: {  	v14 =	vadd.f32 v15, v14  }
0x99: {  	v7 =	vld.idx.msk [tilespmem:v7+s2+$0x0], $0xffff;
	v60 =	vpop (erf)  }
0x9a: {  	v19 =	vld.idx.msk [tilespmem:v19+s2+$0x0], $0xffff;
	v14 =	vmul.f32 $1.442695020e+00, v14;
	v20 =	vpop (erf)  }
0x9b: {  	v16 =	vld.idx.msk [tilespmem:v16+s2+$0x0], $0xffff;
	v20 =	vadd.f32 $1.000000000e+00, v20;
	v21 =	vpop (erf)  }
0x9c: {  	v18 =	vld.idx.msk [tilespmem:v18+s2+$0x0], $0xffff;
	v1 =	vadd.f32 v1, v17;
	(erf) = vpow2.f32 v14;
	v61 =	vadd.f32 $1.000000000e+00, v21;
	v62 =	vpop (erf)  }
0x9d: {  	v4 =	vld.idx.msk [tilespmem:v4+s2+$0x0], $0xffff;
	v63 =	vadd.f32 $1.000000000e+00, v62;
	(erf) = vrcp.f32 v20  }
0x9e: {  	v11 =	vld.idx.msk [tilespmem:v11+s2+$0x0], $0xffff;
	v24 =	vpop (erf);
	v1 =	vmul.f32 $1.442695020e+00, v1;
	(erf) = vrcp.f32 v61  }
0x9f: {  	v12 =	vld.idx.msk [tilespmem:v12+s2+$0x0], $0xffff;
	v7 =	vadd.f32 v7, v13;
	v25 =	vadd.f32 $1.000000000e+00, v24;
	v26 =	vpop (erf);
	(erf) = vrcp.f32 v63  }
0xa0: {  	v10 =	vld.idx.msk [tilespmem:v10+s2+$0x0], $0xffff;
	v0 =	vadd.f32 v16, v0;
	v13 =	vadd.f32 $1.000000000e+00, v26;
	(erf) = vpow2.f32 v1  }
0xa1: {  	v27 =	vld.idx.msk [tilespmem:v8+s2+$0x0], $0xffff;
	v2 =	vadd.f32 v6, v2;
	v28 =	vmul.f32 $1.442695020e+00, v7;
	(erf) = vrcp.f32 v25  }
0xa2: {  	v3 =	vld.idx.msk [tilespmem:v3+s2+$0x0], $0xffff;
	v4 =	vadd.f32 v19, v4;
	v0 =	vmul.f32 $1.442695020e+00, v0;
	(erf) = vrcp.f32 v13  }
0xa3: {  	v2 =	vmul.f32 $1.442695020e+00, v2;
	v29 =	vadd.f32 v11, v18;
	(erf) = vpow2.f32 v28  }
0xa4: {  	v4 =	vmul.f32 $1.442695020e+00, v4;
	(erf) = vpow2.f32 v0  }
0xa5: {  	v30 =	vadd.f32 v10, v9;
	v31 =	vmul.f32 $1.442695020e+00, v29;
	v32 =	vpop (erf);
	(erf) = vpow2.f32 v2  }
0xa6: {  	v1 =	vadd.f32 v27, v5;
	v2 =	vadd.f32 $1.000000000e+00, v32;
	(erf) = vpow2.f32 v4;
	v33 =	vpop (erf)  }
0xa7: {  	v3 =	vadd.f32 v3, v12;
	v0 =	vmul.f32 $1.442695020e+00, v30;
	(erf) = vpow2.f32 v31;
	v34 =	vpop (erf)  }
0xa8: {  	v1 =	vmul.f32 $1.442695020e+00, v1;
	v35 =	vpop (erf);
	(erf) = vrcp.f32 v2  }
0xa9: {  	v36 =	vmul.f32 $1.442695020e+00, v3;
	v37 =	vpop (erf);
	(erf) = vpow2.f32 v0  }
0xaa: {  	(erf) = vpow2.f32 v1;
	v38 =	vpop (erf)  }
0xab: {  	(erf) = vpow2.f32 v36;
	v39 =	vpop (erf)  }
0xac: {  	v40 =	vadd.f32 $1.000000000e+00, v37;
	v41 =	vpop (erf)  }
0xad: {  	v42 =	vadd.f32 $1.000000000e+00, v60;
	v43 =	vpop (erf)  }
0xae: {  	(erf) = vrcp.f32 v40;
	v44 =	vadd.f32 $1.000000000e+00, v41;
	v45 =	vpop (erf)  }
0xaf: {  	(erf) = vrcp.f32 v42;
	v46 =	vadd.f32 $1.000000000e+00, v43;
	v47 =	vpop (erf)  }
0xb0: {  	v3 =	vadd.f32 $1.000000000e+00, v45;
	(erf) = vrcp.f32 v44;
	v48 =	vpop (erf)  }
0xb1: {  	v8 =	vadd.f32 $1.000000000e+00, v47;
	(erf) = vrcp.f32 v46;
	v49 =	vpop (erf)  }
0xb2: {  	[tilespmem:s21+$0xFFFFFF90] =	vst v33;
	v2 =	vadd.f32 $1.000000000e+00, v48;
	(erf) = vrcp.f32 v3;
	v50 =	vpop (erf)  }
0xb3: {  	[tilespmem:s21+$0xFFFFFFC0] =	vst v34;
	(erf) = vrcp.f32 v8;
	v3 =	vadd.f32 $1.000000000e+00, v50;
	v51 =	vpop (erf)  }
0xb4: {  	[tilespmem:s21+$0xFFFFFFA0] =	vst v35;
	(erf) = vrcp.f32 v2;
	v4 =	vadd.f32 $1.000000000e+00, v51;
	v52 =	vpop (erf)  }
0xb5: {  	[tilespmem:s21+$0x20] =	vst v38;
	v53 =	vadd.f32 $1.000000000e+00, v52;
	(erf) = vrcp.f32 v3  }
0xb6: {  	[tilespmem:s21+$0x60] =	vst v39;
	(erf) = vrcp.f32 v4  }
0xb7: {  	[tilespmem:s21+$0x70] =	vst v49;
	v54 =	vpop (erf);
	(erf) = vrcp.f32 v53  }
0xb8: {  	[tilespmem:s21+$0xFFFFFFF0] =	vst v54;
	v55 =	vpop (erf)  }
0xb9: {  	[tilespmem:s21+$0x40] =	vst v55;
	v56 =	vpop (erf)  }
0xba: {  	[tilespmem:s21+$0x10] =	vst v56;
	v57 =	vpop (erf)  }
0xbb: {  	[tilespmem:s21+$0xFFFFFF80] =	vst v57;
	v58 =	vpop (erf)  }
0xbc: {  	[tilespmem:s21+$0xFFFFFFE0] =	vst v58;
	v59 =	vpop (erf)  }
0xbd: {  	[tilespmem:s21+$0x0] =	vst v59;
	v60 =	vpop (erf)  }
0xbe: {  	[tilespmem:s21+$0x30] =	vst v60;
	v61 =	vpop (erf)  }
0xbf: {  	[tilespmem:s21+$0x50] =	vst v61;
	v62 =	vpop (erf)  }
0xc0: {  	[tilespmem:s21+$0xFFFFFFD0] =	vst v62;
	v63 =	vpop (erf)  }
.Ltmp3:
0xc1: {  	[tilespmem:s21+$0xFFFFFFB0] =	vst v63;
	(pc) =	sbr.rel @p0 .LBB2_5-.Ltmp3, $4  }
0xc2: {  	[hbm4b:s6+s2] =	stream.linear.scatter [tilespmem:s16], [sflag:$0x1], $0x4E00, $0x38;
	[tilespmem:$0x13A80] =	vst v63  }
0xc3: {  	_ =	swait.ge [sflag:s11], $0x4E00  }
0xc4: {  	[sflag:s11] =	ssyncset.done $0x0  }
0xc5: {  	[sflag:s11] =	ssyncadd.s32 $0xFFFFB200  }
0xc6: {  	[tilespmem:s17], [sflag:$0x1] =	stream.linear.gather [hbm4b:s7+s2], $0x80, $0x38;
	[tilespmem:$0x13A80] =	vst v63  }
0xc7: {  	_ =	swait.ge [sflag:s11], $0x80  }
0xc8: {  	[sflag:s11] =	ssyncset.done $0x0  }
0xc9: {  	[sflag:s11] =	ssyncadd.s32 $0xFFFFFF80  }
0xca: {  	[tilespmem:s18], [sflag:$0x1] =	stream.linear.gather [hbm4b:s8+s2], $0x80, $0x38;
	[tilespmem:$0x13A80] =	vst v63  }
0xcb: {  	_ =	swait.ge [sflag:s11], $0x80  }
0xcc: {  	[sflag:s11] =	ssyncset.done $0x0  }
0xcd: {  	[sflag:s11] =	ssyncadd.s32 $0xFFFFFF80  }
0xce: {  	v0 =	vld [tilespmem:$0x13880]  }
0xcf: {  	v1 =	vld [tilespmem:$0x13890]  }
0xd0: {  	v2 =	vld [tilespmem:$0x138A0]  }
0xd1: {  	v3 =	vld [tilespmem:$0x138B0]  }
0xd2: {  	v4 =	vld [tilespmem:$0x138C0]  }
0xd3: {  	v5 =	vld [tilespmem:$0x138D0]  }
0xd4: {  	v6 =	vld [tilespmem:$0x138E0]  }
0xd5: {  	v7 =	vld [tilespmem:$0x138F0]  }
0xd6: {  	v8 =	vld [tilespmem:$0x13900]  }
0xd7: {  	v9 =	vld [tilespmem:$0x13910]  }
0xd8: {  	v10 =	vld [tilespmem:$0x13920]  }
0xd9: {  	v11 =	vld [tilespmem:$0x13930]  }
0xda: {  	v12 =	vld [tilespmem:$0x13940]  }
0xdb: {  	v13 =	vld [tilespmem:$0x13950]  }
0xdc: {  	v14 =	vld [tilespmem:$0x13960]  }
0xdd: {  	v15 =	vld [tilespmem:$0x13970]  }
0xde: {  	v16 =	vld.idx.msk [tilespmem:v0+s2+$0x0], $0xffff  }
0xdf: {  	v17 =	vld.idx.msk [tilespmem:v1+s2+$0x0], $0xffff  }
0xe0: {  	v18 =	vld.idx.msk [tilespmem:v2+s2+$0x0], $0xffff  }
0xe1: {  	v20 =	vadd.s32 $0x4E20, v8;
	v19 =	vld.idx.msk [tilespmem:v3+s2+$0x0], $0xffff  }
0xe2: {  	v22 =	vadd.s32 $0x4E20, v9;
	v21 =	vld.idx.msk [tilespmem:v4+s2+$0x0], $0xffff  }
0xe3: {  	v24 =	vadd.s32 $0x4E20, v10;
	v23 =	vld.idx.msk [tilespmem:v5+s2+$0x0], $0xffff  }
0xe4: {  	v26 =	vadd.s32 $0x4E20, v11;
	v25 =	vld.idx.msk [tilespmem:v6+s2+$0x0], $0xffff  }
0xe5: {  	v28 =	vadd.s32 $0x4E20, v12;
	v27 =	vld.idx.msk [tilespmem:v7+s2+$0x0], $0xffff  }
0xe6: {  	v29 =	vadd.s32 $0x4E20, v13;
	v20 =	vld.idx.msk [tilespmem:v20+s2+$0x0], $0xffff  }
0xe7: {  	v30 =	vadd.s32 $0x4E20, v14;
	v22 =	vld.idx.msk [tilespmem:v22+s2+$0x0], $0xffff  }
0xe8: {  	v31 =	vadd.s32 $0x4E20, v15;
	v24 =	vld.idx.msk [tilespmem:v24+s2+$0x0], $0xffff  }
0xe9: {  	v8 =	vadd.s32 $0x7530, v8;
	v26 =	vld.idx.msk [tilespmem:v26+s2+$0x0], $0xffff  }
0xea: {  	v9 =	vadd.s32 $0x7530, v9;
	v28 =	vld.idx.msk [tilespmem:v28+s2+$0x0], $0xffff  }
0xeb: {  	v10 =	vadd.s32 $0x7530, v10;
	v29 =	vld.idx.msk [tilespmem:v29+s2+$0x0], $0xffff  }
0xec: {  	v11 =	vadd.s32 $0x7530, v11;
	v30 =	vld.idx.msk [tilespmem:v30+s2+$0x0], $0xffff  }
0xed: {  	v12 =	vadd.s32 $0x7530, v12;
	v31 =	vld.idx.msk [tilespmem:v31+s2+$0x0], $0xffff  }
0xee: {  	v13 =	vadd.s32 $0x7530, v13;
	v8 =	vld.idx.msk [tilespmem:v8+s2+$0x0], $0xffff  }
0xef: {  	v14 =	vadd.s32 $0x7530, v14;
	v9 =	vld.idx.msk [tilespmem:v9+s2+$0x0], $0xffff  }
0xf0: {  	v15 =	vadd.s32 $0x7530, v15;
	v10 =	vld.idx.msk [tilespmem:v10+s2+$0x0], $0xffff  }
0xf1: {  	v0 =	vadd.s32 $0x2710, v0;
	v11 =	vld.idx.msk [tilespmem:v11+s2+$0x0], $0xffff  }
0xf2: {  	v1 =	vadd.s32 $0x2710, v1;
	v12 =	vld.idx.msk [tilespmem:v12+s2+$0x0], $0xffff  }
0xf3: {  	v2 =	vadd.s32 $0x2710, v2;
	v3 =	vadd.s32 $0x2710, v3;
	v13 =	vld.idx.msk [tilespmem:v13+s2+$0x0], $0xffff;
	v16 =	vadd.f32 v20, v16  }
0xf4: {  	v4 =	vadd.s32 $0x2710, v4;
	v5 =	vadd.s32 $0x2710, v5;
	v14 =	vld.idx.msk [tilespmem:v14+s2+$0x0], $0xffff;
	v17 =	vadd.f32 v22, v17  }
0xf5: {  	v6 =	vadd.s32 $0x2710, v6;
	v15 =	vld.idx.msk [tilespmem:v15+s2+$0x0], $0xffff;
	v18 =	vadd.f32 v24, v18;
	v16 =	vmul.f32 $1.442695020e+00, v16  }
0xf6: {  	v7 =	vadd.s32 $0x2710, v7;
	v0 =	vld.idx.msk [tilespmem:v0+s2+$0x0], $0xffff;
	v19 =	vadd.f32 v26, v19;
	v17 =	vmul.f32 $1.442695020e+00, v17  }
0xf7: {  	v1 =	vld.idx.msk [tilespmem:v1+s2+$0x0], $0xffff;
	v52 =	vadd.f32 v28, v21;
	v53 =	vmul.f32 $1.442695020e+00, v18;
	(erf) = vpow2.f32 v16  }
0xf8: {  	v2 =	vld.idx.msk [tilespmem:v2+s2+$0x0], $0xffff;
	v54 =	vadd.f32 v29, v23;
	v55 =	vmul.f32 $1.442695020e+00, v19;
	(erf) = vpow2.f32 v17  }
0xf9: {  	v3 =	vld.idx.msk [tilespmem:v3+s2+$0x0], $0xffff;
	v56 =	vadd.f32 v30, v25;
	v57 =	vmul.f32 $1.442695020e+00, v52;
	(erf) = vpow2.f32 v53  }
0xfa: {  	v4 =	vld.idx.msk [tilespmem:v4+s2+$0x0], $0xffff;
	v58 =	vadd.f32 v31, v27;
	v59 =	vmul.f32 $1.442695020e+00, v54;
	(erf) = vpow2.f32 v55  }
0xfb: {  	v5 =	vld.idx.msk [tilespmem:v5+s2+$0x0], $0xffff;
	v60 =	vmul.f32 $1.442695020e+00, v56;
	v0 =	vadd.f32 v8, v0;
	(erf) = vpow2.f32 v57  }
0xfc: {  	v6 =	vld.idx.msk [tilespmem:v6+s2+$0x0], $0xffff;
	v61 =	vmul.f32 $1.442695020e+00, v58;
	v1 =	vadd.f32 v9, v1;
	(erf) = vpow2.f32 v59  }
0xfd: {  	v7 =	vld.idx.msk [tilespmem:v7+s2+$0x0], $0xffff;
	v2 =	vadd.f32 v10, v2;
	v0 =	vmul.f32 $1.442695020e+00, v0;
	(erf) = vpow2.f32 v60  }
0xfe: {  	v3 =	vadd.f32 v11, v3;
	v1 =	vmul.f32 $1.442695020e+00, v1;
	(erf) = vpow2.f32 v61  }
0xff: {  	v4 =	vadd.f32 v12, v4;
	v62 =	vmul.f32 $1.442695020e+00, v2;
	(erf) = vpow2.f32 v0  }
0x100: {  	v63 =	vadd.f32 v13, v5;
	v10 =	vmul.f32 $1.442695020e+00, v3;
	v9 =	vpop (erf);
	(erf) = vpow2.f32 v1  }
0x101: {  	v11 =	vadd.f32 v14, v6;
	v13 =	vmul.f32 $1.442695020e+00, v4;
	v12 =	vpop (erf);
	(erf) = vpow2.f32 v62  }
0x102: {  	v14 =	vadd.f32 v15, v7;
	v16 =	vmul.f32 $1.442695020e+00, v63;
	v15 =	vpop (erf);
	(erf) = vpow2.f32 v10  }
0x103: {  	v18 =	vmul.f32 $1.442695020e+00, v11;
	v17 =	vpop (erf);
	(erf) = vpow2.f32 v13  }
0x104: {  	v20 =	vmul.f32 $1.442695020e+00, v14;
	v19 =	vpop (erf);
	(erf) = vpow2.f32 v16  }
0x105: {  	v22 =	vadd.f32 $1.000000000e+00, v9;
	v21 =	vpop (erf);
	(erf) = vpow2.f32 v18  }
0x106: {  	v24 =	vadd.f32 $1.000000000e+00, v12;
	v23 =	vpop (erf);
	(erf) = vpow2.f32 v20  }
0x107: {  	v26 =	vadd.f32 $1.000000000e+00, v15;
	v25 =	vpop (erf);
	(erf) = vrcp.f32 v22  }
0x108: {  	v28 =	vadd.f32 $1.000000000e+00, v17;
	v27 =	vpop (erf);
	(erf) = vrcp.f32 v24  }
0x109: {  	v30 =	vadd.f32 $1.000000000e+00, v19;
	v29 =	vpop (erf);
	(erf) = vrcp.f32 v26  }
0x10a: {  	v32 =	vadd.f32 $1.000000000e+00, v21;
	v31 =	vpop (erf);
	(erf) = vrcp.f32 v28  }
0x10b: {  	v34 =	vadd.f32 $1.000000000e+00, v23;
	v33 =	vpop (erf);
	(erf) = vrcp.f32 v30  }
0x10c: {  	v36 =	vadd.f32 $1.000000000e+00, v25;
	v35 =	vpop (erf);
	(erf) = vrcp.f32 v32  }
0x10d: {  	v38 =	vadd.f32 $1.000000000e+00, v27;
	v37 =	vpop (erf);
	(erf) = vrcp.f32 v34  }
0x10e: {  	v40 =	vadd.f32 $1.000000000e+00, v29;
	v39 =	vpop (erf);
	(erf) = vrcp.f32 v36  }
0x10f: {  	v42 =	vadd.f32 $1.000000000e+00, v31;
	v41 =	vpop (erf);
	(erf) = vrcp.f32 v38  }
0x110: {  	v44 =	vadd.f32 $1.000000000e+00, v33;
	v43 =	vpop (erf);
	(erf) = vrcp.f32 v40  }
0x111: {  	v46 =	vadd.f32 $1.000000000e+00, v35;
	v45 =	vpop (erf);
	(erf) = vrcp.f32 v42;
	[tilespmem:$0x13980] =	vst v43  }
0x112: {  	v48 =	vadd.f32 $1.000000000e+00, v37;
	v47 =	vpop (erf);
	(erf) = vrcp.f32 v44;
	[tilespmem:$0x13990] =	vst v45  }
0x113: {  	v50 =	vadd.f32 $1.000000000e+00, v39;
	v49 =	vpop (erf);
	(erf) = vrcp.f32 v46;
	[tilespmem:$0x139A0] =	vst v47  }
0x114: {  	v52 =	vadd.f32 $1.000000000e+00, v41;
	v51 =	vpop (erf);
	(erf) = vrcp.f32 v48;
	[tilespmem:$0x139B0] =	vst v49  }
0x115: {  	v53 =	vpop (erf);
	(erf) = vrcp.f32 v50;
	[tilespmem:$0x139C0] =	vst v51  }
0x116: {  	v54 =	vpop (erf);
	(erf) = vrcp.f32 v52;
	[tilespmem:$0x139D0] =	vst v53  }
0x117: {  	v55 =	vpop (erf);
	[tilespmem:$0x139E0] =	vst v54  }
0x118: {  	v56 =	vpop (erf);
	[tilespmem:$0x139F0] =	vst v55  }
0x119: {  	v57 =	vpop (erf);
	[tilespmem:$0x13A00] =	vst v56  }
0x11a: {  	v58 =	vpop (erf);
	[tilespmem:$0x13A10] =	vst v57  }
0x11b: {  	v59 =	vpop (erf);
	[tilespmem:$0x13A20] =	vst v58  }
0x11c: {  	v60 =	vpop (erf);
	[tilespmem:$0x13A30] =	vst v59  }
0x11d: {  	v61 =	vpop (erf);
	[tilespmem:$0x13A40] =	vst v60  }
0x11e: {  	v62 =	vpop (erf);
	[tilespmem:$0x13A50] =	vst v61  }
0x11f: {  	v63 =	vpop (erf);
	[tilespmem:$0x13A60] =	vst v62  }
.Ltmp4:
0x120: {  	[tilespmem:$0x13A70] =	vst v63;
	(pc) =	sbr.rel .LBB2_5-.Ltmp4, $4  }
0x121: {  	[hbm4b:s9+s2] =	stream.linear.scatter [tilespmem:s19], [sflag:$0x1], $0x100, $0x38;
	[tilespmem:$0x13A80] =	vst v63  }
0x122: {  	_ =	swait.ge [sflag:s11], $0x100  }
0x123: {  	[sflag:s11] =	ssyncset.done $0x0  }
0x124: {  	[sflag:s11] =	ssyncadd.s32 $0xFFFFFF00  }
.LBB2_6:
0x125: {  	_ =	sfence.sel $0x180000  }
0x126: {  	[bflag:$0x0] =	sbarrier.arrive $0xFFFF  }
0x127: {  	p0 =	sne.s32 s0, $0x0;
	_ =	strace $0x90000047  }
0x128: {  	s0 =	sadd.s32 @!p0 $0x100000, s1;
	[bflag:$0x2] =	sbarrier.arrive $0xFFFF  }
0x129: {  	[sflag:s0] =	ssyncadd.tile.s32 @!p0 $0x1;
	_ =	shalt  }
.Lfunc_end2:
_tile_overlayer_lowered:
.L_overlay_start_2:
0x12a: {  	(tag) =	ssettag $0x2  }
0x12b: {  	s0 =	rddreg [dreg:$0x0];
	s2 =	stileid.u32  }
0x12c: {  	s1 =	rddreg [dreg:$0x1];
	p0 =	sne.s32 s2, $0x0  }
0x12d: {  	s3 =	rddreg [dreg:$0x2];
	[bflag:$0x3] =	sbarrier.arrive $0xFFFF;
	s2 =	simm.s32 @!p0 $0x1C01  }
0x12e: {  	[timem:s3], [sflag:s2] =	dma.local @!p0 [hbm:s0], s1  }
0x12f: {  	s0 =	simm.s32 @!p0 $0x1  }
0x130: {  	_ =	swait.ge @!p0 [sflag:s0], s1  }
0x131: {  	s1 =	ssub.s32 @!p0 $0x0, s1;
	[sflag:s0] =	ssyncset.done @!p0 $0x0  }
0x132: {  	[sflag:s0] =	ssyncadd.s32 @!p0 s1  }
0x133: {  	[bflag:$0x3] =	sbarrier.arrive $0xFFFF  }
0x134: {  	_ =	shalt  }

</sc_bundles>
